<compile_context>
chip_gen: v7x
topology: tpu7x:2x2x1
jax: 0.10.2.dev20260603
libtpu: 0.0.44.dev20260713+nightly
codegen_flags: <defaults>
</compile_context>

<pallas_src>
import functools

import jax
import jax.numpy as jnp
from jax import lax
from jax.experimental import pallas as pl
from jax.experimental.pallas import tpu as pltpu
from jax.experimental.pallas import tpu_sc as plsc

V_TOTAL = 1024
N_FIXED = 256
D = 4096
B = 16 * 1024
_MERGE_BLK = 128


def _merge_body(e_ref, t_ref, o_ref):
    i = pl.program_id(0)
    nfix = N_FIXED // _MERGE_BLK

    @pl.when(i < nfix)
    def _():
        o_ref[...] = e_ref[...]

    @pl.when(i >= nfix)
    def _():
        o_ref[...] = t_ref[...]


def _build_merged(embeddings_weight, trainable_weight):
    nfix = N_FIXED // _MERGE_BLK
    return pl.pallas_call(
        _merge_body,
        grid=(V_TOTAL // _MERGE_BLK,),
        in_specs=[
            pl.BlockSpec((_MERGE_BLK, D), lambda i: (jnp.minimum(i, nfix - 1), 0)),
            pl.BlockSpec((_MERGE_BLK, D), lambda i: (jnp.maximum(i - nfix, 0), 0)),
        ],
        out_specs=pl.BlockSpec((_MERGE_BLK, D), lambda i: (i, 0)),
        out_shape=jax.ShapeDtypeStruct((V_TOTAL, D), jnp.float32),
    )(embeddings_weight, trainable_weight)


def _make_gather(nw, nc, bpw, k, nbuf):
    nchunk = bpw // k
    ngroup = -(-nchunk // nbuf)
    mesh = plsc.VectorSubcoreMesh(core_axis_name="c", subcore_axis_name="s")

    @functools.partial(
        pl.kernel,
        mesh=mesh,
        out_type=jax.ShapeDtypeStruct((B, D), jnp.float32),
        scratch_types=[
            pltpu.VMEM((nchunk, k), jnp.int32),
            pltpu.VMEM((nbuf, k, D), jnp.float32),
        ]
        + [pltpu.SemaphoreType.DMA] * (2 * nbuf),
    )
    def gather(table_hbm, idx_hbm, out_hbm, idx_v, buf_v, *sems):
        gsems, ssems = sems[:nbuf], sems[nbuf:]
        wid = lax.axis_index("s") * nc + lax.axis_index("c")
        base = wid * bpw
        pltpu.sync_copy(idx_hbm.at[wid], idx_v)

        def gather_chunk(c, b):
            return pltpu.make_async_copy(
                table_hbm.at[idx_v.at[c]], buf_v.at[b], gsems[b])

        def write_chunk(c, b):
            return pltpu.make_async_copy(
                buf_v.at[b], out_hbm.at[pl.ds(base + c * k, k)], ssems[b])

        for c in range(nbuf - 1):
            gather_chunk(c, c % nbuf).start()

        def group(g, carry):
            c0 = g * nbuf
            for b in range(nbuf):
                c = c0 + b
                la = c + nbuf - 1
                slot_la = (b + nbuf - 1) % nbuf

                @pl.when(jnp.logical_and(c >= 1, la < nchunk))
                def _():
                    write_chunk(c - 1, slot_la).wait()
                    gather_chunk(la, slot_la).start()

                @pl.when(jnp.logical_and(c < 1, la < nchunk))
                def _():
                    gather_chunk(la, slot_la).start()

                @pl.when(c < nchunk)
                def _():
                    gather_chunk(c, b).wait()
                    write_chunk(c, b).start()
            return carry

        lax.fori_loop(0, ngroup, group, 0)
        for t in range(nbuf):
            c = nchunk - nbuf + t
            write_chunk(c, c % nbuf).wait()

    return gather


def kernel(indices, embeddings_weight, trainable_weight):
    info = plsc.get_sparse_core_info()
    nc, ns = info.num_cores, info.num_subcores
    nw = nc * ns
    bpw = B // nw
    k = 8
    nbuf = 3

    merged = _build_merged(embeddings_weight, trainable_weight)
    idx = indices.astype(jnp.int32).reshape(nw, bpw // k, k)
    out = _make_gather(nw, nc, bpw, k, nbuf)(merged, idx)
    return out.reshape(indices.shape[0], indices.shape[1], D)

# --- scband reference (transcript-rebuilt; emitter-appended) ---
"""Pipeline reference for scband-partial-prompt-embedding-26757646254188 (READ-ONLY COPY).

The authoritative reference and input builder live on the scoring server;
editing this copy changes nothing except your own understanding.
"""

import jax, jax.numpy as jnp
import numpy as np

NUM_FIXED = 256
TOTAL_VT = 1024
TOKEN_DIM = 4096
NUM_TO_LEARN = TOTAL_VT - NUM_FIXED
BATCH = 16


def setup_inputs(seed: int = 0) -> dict:
    key = jax.random.key(seed)
    k1, k2, k3 = jax.random.split(key, 3)
    indices = jax.random.randint(k1, (BATCH, TOTAL_VT), 0, TOTAL_VT, dtype=jnp.int64 if jax.config.jax_enable_x64 else jnp.int32)
    embeddings_weight = jax.random.normal(k2, (TOTAL_VT, TOKEN_DIM), dtype=jnp.float32)
    trainable_weight = jax.random.normal(k3, (NUM_TO_LEARN, TOKEN_DIM), dtype=jnp.float32)
    return {"indices": indices, "embeddings_weight": embeddings_weight, "trainable_weight": trainable_weight}


def reference(indices, embeddings_weight, trainable_weight):
    # forward: detach base table, overwrite learned rows with trainable_weight,
    # then plain embedding lookup.
    weight = jax.lax.stop_gradient(embeddings_weight)
    weight = weight.at[NUM_FIXED:].set(trainable_weight)
    out = jnp.take(weight, indices, axis=0)
    return out

if __name__ == "__main__":
    import jax
    _d = setup_inputs()
    print(jax.jit(kernel)(*tuple(_d.values())))

</pallas_src>

<mosaic_0001>
#map = affine_map<(d0, d1) -> (0, 0)>
#map1 = affine_map<(d0, d1) -> (0, 0, 0)>
module attributes {stable_mosaic.version = 14 : i64} {
  func.func @gather(%arg0: i32, %arg1: i32, %arg2: memref<1024x4096xf32, #tpu.memory_space<hbm>>, %arg3: memref<32x64x8xi32, #tpu.memory_space<hbm>>, %arg4: memref<16384x4096xf32, #tpu.memory_space<hbm>>, %arg5: memref<64x8xi32, #tpu.memory_space<vmem>>, %arg6: memref<3x8x4096xf32, #tpu.memory_space<vmem>>, %arg7: memref<!tpu.dma_semaphore, #tpu.memory_space<semaphore_mem>>, %arg8: memref<!tpu.dma_semaphore, #tpu.memory_space<semaphore_mem>>, %arg9: memref<!tpu.dma_semaphore, #tpu.memory_space<semaphore_mem>>, %arg10: memref<!tpu.dma_semaphore, #tpu.memory_space<semaphore_mem>>, %arg11: memref<!tpu.dma_semaphore, #tpu.memory_space<semaphore_mem>>, %arg12: memref<!tpu.dma_semaphore, #tpu.memory_space<semaphore_mem>>) attributes {dimension_semantics = [#tpu.dimension_semantics<core_parallel>, #tpu.dimension_semantics<subcore_parallel>], iteration_bounds = array<i64: 2, 16>, scalar_prefetch = 0 : i64, scratch_operands = 8 : i64, tpu.core_type = #tpu.core_type<sc_vector_subcore>, window_params = [{transform_indices = #map}, {transform_indices = #map1}, {transform_indices = #map}]} {
    %mul3A = arith.constant 2 : i32
    %mul3A_0 = arith.muli %arg1, %mul3A : i32
    %add3A = arith.addi %mul3A_0, %arg0 : i32
    %mul3A_1 = arith.constant 512 : i32
    %mul3A_2 = arith.muli %add3A, %mul3A_1 : i32
    "tpu.region"() ({
      %run_scoped3A = tpu.sem_alloc : memref<!tpu.dma_semaphore, #tpu.memory_space<semaphore_mem>>
      %dma_start3A_75 = arith.constant 0 : i32
      %dma_start3A_76 = arith.constant 0 : i32
      %dma_start3A_77 = tpu.memref_slice %arg3[%add3A, %dma_start3A_75, %dma_start3A_76] : memref<32x64x8xi32, #tpu.memory_space<hbm>> -> memref<1x64x8xi32, #tpu.memory_space<hbm>>
      %dma_start3A_78 = tpu.memref_squeeze %dma_start3A_77 : memref<1x64x8xi32, #tpu.memory_space<hbm>> -> memref<64x8xi32, #tpu.memory_space<hbm>>
      %dma_start3A_79 = arith.constant 0 : i32
      %dma_start3A_80 = arith.constant 0 : i32
      %dma_start3A_81 = tpu.memref_slice %arg3[%add3A, %dma_start3A_79, %dma_start3A_80] : memref<32x64x8xi32, #tpu.memory_space<hbm>> -> memref<1x64x8xi32, #tpu.memory_space<hbm>>
      %dma_start3A_82 = tpu.memref_squeeze %dma_start3A_81 : memref<1x64x8xi32, #tpu.memory_space<hbm>> -> memref<64x8xi32, #tpu.memory_space<hbm>>
      tpu.enqueue_dma source(%dma_start3A_82 : memref<64x8xi32, #tpu.memory_space<hbm>>) target(%arg5 : memref<64x8xi32, #tpu.memory_space<vmem>>) target_semaphore(%run_scoped3A : memref<!tpu.dma_semaphore, #tpu.memory_space<semaphore_mem>>)
      %dma_wait3A_83 = arith.constant 0 : i32
      %dma_wait3A_84 = arith.constant 0 : i32
      %dma_wait3A_85 = tpu.memref_slice %arg3[%add3A, %dma_wait3A_83, %dma_wait3A_84] : memref<32x64x8xi32, #tpu.memory_space<hbm>> -> memref<1x64x8xi32, #tpu.memory_space<hbm>>
      %dma_wait3A_86 = tpu.memref_squeeze %dma_wait3A_85 : memref<1x64x8xi32, #tpu.memory_space<hbm>> -> memref<64x8xi32, #tpu.memory_space<hbm>>
      %dma_wait3A_87 = arith.constant 0 : i32
      %dma_wait3A_88 = arith.constant 0 : i32
      %dma_wait3A_89 = tpu.memref_slice %arg3[%add3A, %dma_wait3A_87, %dma_wait3A_88] : memref<32x64x8xi32, #tpu.memory_space<hbm>> -> memref<1x64x8xi32, #tpu.memory_space<hbm>>
      %dma_wait3A_90 = tpu.memref_squeeze %dma_wait3A_89 : memref<1x64x8xi32, #tpu.memory_space<hbm>> -> memref<64x8xi32, #tpu.memory_space<hbm>>
      tpu.wait_dma2 semaphore(%run_scoped3A : memref<!tpu.dma_semaphore, #tpu.memory_space<semaphore_mem>>) src(%dma_wait3A_90 : memref<64x8xi32, #tpu.memory_space<hbm>>) dst(%arg5 : memref<64x8xi32, #tpu.memory_space<vmem>>)
      tpu.yield
    }) : () -> ()
    %dma_start3A = arith.constant 0 : i32
    %dma_start3A_3 = arith.constant 0 : i32
    %dma_start3A_4 = arith.constant 0 : i32
    %dma_start3A_5 = arith.constant 0 : i32
    %dma_start3A_6 = tpu.memref_slice %arg6[%dma_start3A_3, %dma_start3A_4, %dma_start3A_5] : memref<3x8x4096xf32, #tpu.memory_space<vmem>> -> memref<1x8x4096xf32, #tpu.memory_space<vmem>>
    %dma_start3A_7 = tpu.memref_squeeze %dma_start3A_6 : memref<1x8x4096xf32, #tpu.memory_space<vmem>> -> memref<8x4096xf32, #tpu.memory_space<vmem>>
    %dma_start3A_8 = arith.constant 0 : i32
    %dma_start3A_9 = tpu.memref_slice %arg5[%dma_start3A, %dma_start3A_8] : memref<64x8xi32, #tpu.memory_space<vmem>> -> memref<1x8xi32, #tpu.memory_space<vmem>>
    %dma_start3A_10 = tpu.memref_squeeze %dma_start3A_9 : memref<1x8xi32, #tpu.memory_space<vmem>> -> memref<8xi32, #tpu.memory_space<vmem>>
    %dma_start3A_11 = arith.constant 0 : i32
    %dma_start3A_12 = arith.constant 0 : i32
    %dma_start3A_13 = tpu.memref_slice %arg2[%dma_start3A_11, %dma_start3A_12] : memref<1024x4096xf32, #tpu.memory_space<hbm>> -> memref<1024x4096xf32, #tpu.memory_space<hbm>>
    tpu.enqueue_indirect_dma source(%dma_start3A_13 : memref<1024x4096xf32, #tpu.memory_space<hbm>>) target(%dma_start3A_7 : memref<8x4096xf32, #tpu.memory_space<vmem>>) offsets(%dma_start3A_10 : memref<8xi32, #tpu.memory_space<vmem>>) semaphore(%arg7 : memref<!tpu.dma_semaphore, #tpu.memory_space<semaphore_mem>>)
    %dma_start3A_14 = arith.constant 1 : i32
    %dma_start3A_15 = arith.constant 1 : i32
    %dma_start3A_16 = arith.constant 0 : i32
    %dma_start3A_17 = arith.constant 0 : i32
    %dma_start3A_18 = tpu.memref_slice %arg6[%dma_start3A_15, %dma_start3A_16, %dma_start3A_17] : memref<3x8x4096xf32, #tpu.memory_space<vmem>> -> memref<1x8x4096xf32, #tpu.memory_space<vmem>>
    %dma_start3A_19 = tpu.memref_squeeze %dma_start3A_18 : memref<1x8x4096xf32, #tpu.memory_space<vmem>> -> memref<8x4096xf32, #tpu.memory_space<vmem>>
    %dma_start3A_20 = arith.constant 0 : i32
    %dma_start3A_21 = tpu.memref_slice %arg5[%dma_start3A_14, %dma_start3A_20] : memref<64x8xi32, #tpu.memory_space<vmem>> -> memref<1x8xi32, #tpu.memory_space<vmem>>
    %dma_start3A_22 = tpu.memref_squeeze %dma_start3A_21 : memref<1x8xi32, #tpu.memory_space<vmem>> -> memref<8xi32, #tpu.memory_space<vmem>>
    %dma_start3A_23 = arith.constant 0 : i32
    %dma_start3A_24 = arith.constant 0 : i32
    %dma_start3A_25 = tpu.memref_slice %arg2[%dma_start3A_23, %dma_start3A_24] : memref<1024x4096xf32, #tpu.memory_space<hbm>> -> memref<1024x4096xf32, #tpu.memory_space<hbm>>
    tpu.enqueue_indirect_dma source(%dma_start3A_25 : memref<1024x4096xf32, #tpu.memory_space<hbm>>) target(%dma_start3A_19 : memref<8x4096xf32, #tpu.memory_space<vmem>>) offsets(%dma_start3A_22 : memref<8xi32, #tpu.memory_space<vmem>>) semaphore(%arg8 : memref<!tpu.dma_semaphore, #tpu.memory_space<semaphore_mem>>)
    %scan3A = arith.constant 0 : i32
    %scan3A_26 = arith.constant 0 : i32
    %scan3A_27 = arith.constant 22 : i32
    %scan3A_28 = arith.addi %scan3A_26, %scan3A_27 : i32
    %scan3A_29 = arith.constant 1 : i32
    scf.for %scan3A_75 = %scan3A_26 to %scan3A_28 step %scan3A_29  : i32 {
      %mul3A_76 = arith.constant 3 : i32
      %mul3A_77 = arith.muli %scan3A_75, %mul3A_76 : i32
      %add3A_78 = arith.constant 0 : i32
      %add3A_79 = arith.addi %mul3A_77, %add3A_78 : i32
      %add3A_80 = arith.constant 3 : i32
      %add3A_81 = arith.addi %add3A_79, %add3A_80 : i32
      %sub3A = arith.constant 1 : i32
      %sub3A_82 = arith.subi %add3A_81, %sub3A : i32
      %ge3A = arith.constant 1 : i32
      %ge3A_83 = arith.cmpi sge, %add3A_79, %ge3A : i32
      %lt3A = arith.constant 64 : i32
      %lt3A_84 = arith.cmpi slt, %sub3A_82, %lt3A : i32
      %and3A = arith.andi %ge3A_83, %lt3A_84 : i1
      %convert_element_type3A = arith.extui %and3A : i1 to i32
      %cond3A = arith.constant 0 : i32
      %cond3A_85 = arith.cmpi ne, %convert_element_type3A, %cond3A : i32
      scf.if %cond3A_85 {
        %sub3A_153 = arith.constant 1 : i32
        %sub3A_154 = arith.subi %add3A_79, %sub3A_153 : i32
        %mul3A_155 = arith.constant 8 : i32
        %mul3A_156 = arith.muli %sub3A_154, %mul3A_155 : i32
        %add3A_157 = arith.addi %mul3A_2, %mul3A_156 : i32
        %dma_wait3A_158 = arith.constant 2 : i32
        %dma_wait3A_159 = arith.constant 0 : i32
        %dma_wait3A_160 = arith.constant 0 : i32
        %dma_wait3A_161 = tpu.memref_slice %arg6[%dma_wait3A_158, %dma_wait3A_159, %dma_wait3A_160] : memref<3x8x4096xf32, #tpu.memory_space<vmem>> -> memref<1x8x4096xf32, #tpu.memory_space<vmem>>
        %dma_wait3A_162 = tpu.memref_squeeze %dma_wait3A_161 : memref<1x8x4096xf32, #tpu.memory_space<vmem>> -> memref<8x4096xf32, #tpu.memory_space<vmem>>
        %dma_wait3A_163 = arith.constant 0 : i32
        %dma_wait3A_164 = tpu.memref_slice %arg4[%add3A_157, %dma_wait3A_163] : memref<16384x4096xf32, #tpu.memory_space<hbm>> -> memref<8x4096xf32, #tpu.memory_space<hbm>>
        %dma_wait3A_165 = arith.constant 0 : i32
        %dma_wait3A_166 = tpu.memref_slice %arg4[%add3A_157, %dma_wait3A_165] : memref<16384x4096xf32, #tpu.memory_space<hbm>> -> memref<8x4096xf32, #tpu.memory_space<hbm>>
        %dma_wait3A_167 = arith.constant 0 : i32
        %dma_wait3A_168 = arith.constant 0 : i32
        %dma_wait3A_169 = tpu.memref_slice %arg6[%dma_wait3A_158, %dma_wait3A_167, %dma_wait3A_168] : memref<3x8x4096xf32, #tpu.memory_space<vmem>> -> memref<1x8x4096xf32, #tpu.memory_space<vmem>>
        %dma_wait3A_170 = tpu.memref_squeeze %dma_wait3A_169 : memref<1x8x4096xf32, #tpu.memory_space<vmem>> -> memref<8x4096xf32, #tpu.memory_space<vmem>>
        tpu.wait_dma2 semaphore(%arg12 : memref<!tpu.dma_semaphore, #tpu.memory_space<semaphore_mem>>) src(%dma_wait3A_170 : memref<8x4096xf32, #tpu.memory_space<vmem>>) dst(%dma_wait3A_166 : memref<8x4096xf32, #tpu.memory_space<hbm>>)
        %dma_start3A_171 = arith.constant 2 : i32
        %dma_start3A_172 = arith.constant 0 : i32
        %dma_start3A_173 = arith.constant 0 : i32
        %dma_start3A_174 = tpu.memref_slice %arg6[%dma_start3A_171, %dma_start3A_172, %dma_start3A_173] : memref<3x8x4096xf32, #tpu.memory_space<vmem>> -> memref<1x8x4096xf32, #tpu.memory_space<vmem>>
        %dma_start3A_175 = tpu.memref_squeeze %dma_start3A_174 : memref<1x8x4096xf32, #tpu.memory_space<vmem>> -> memref<8x4096xf32, #tpu.memory_space<vmem>>
        %dma_start3A_176 = arith.constant 0 : i32
        %dma_start3A_177 = tpu.memref_slice %arg5[%sub3A_82, %dma_start3A_176] : memref<64x8xi32, #tpu.memory_space<vmem>> -> memref<1x8xi32, #tpu.memory_space<vmem>>
        %dma_start3A_178 = tpu.memref_squeeze %dma_start3A_177 : memref<1x8xi32, #tpu.memory_space<vmem>> -> memref<8xi32, #tpu.memory_space<vmem>>
        %dma_start3A_179 = arith.constant 0 : i32
        %dma_start3A_180 = arith.constant 0 : i32
        %dma_start3A_181 = tpu.memref_slice %arg2[%dma_start3A_179, %dma_start3A_180] : memref<1024x4096xf32, #tpu.memory_space<hbm>> -> memref<1024x4096xf32, #tpu.memory_space<hbm>>
        tpu.enqueue_indirect_dma source(%dma_start3A_181 : memref<1024x4096xf32, #tpu.memory_space<hbm>>) target(%dma_start3A_175 : memref<8x4096xf32, #tpu.memory_space<vmem>>) offsets(%dma_start3A_178 : memref<8xi32, #tpu.memory_space<vmem>>) semaphore(%arg9 : memref<!tpu.dma_semaphore, #tpu.memory_space<semaphore_mem>>)
      } else {
      }
      %lt3A_86 = arith.constant 1 : i32
      %lt3A_87 = arith.cmpi slt, %add3A_79, %lt3A_86 : i32
      %lt3A_88 = arith.constant 64 : i32
      %lt3A_89 = arith.cmpi slt, %sub3A_82, %lt3A_88 : i32
      %and3A_90 = arith.andi %lt3A_87, %lt3A_89 : i1
      %convert_element_type3A_91 = arith.extui %and3A_90 : i1 to i32
      %cond3A_92 = arith.constant 0 : i32
      %cond3A_93 = arith.cmpi ne, %convert_element_type3A_91, %cond3A_92 : i32
      scf.if %cond3A_93 {
        %dma_start3A_153 = arith.constant 2 : i32
        %dma_start3A_154 = arith.constant 0 : i32
        %dma_start3A_155 = arith.constant 0 : i32
        %dma_start3A_156 = tpu.memref_slice %arg6[%dma_start3A_153, %dma_start3A_154, %dma_start3A_155] : memref<3x8x4096xf32, #tpu.memory_space<vmem>> -> memref<1x8x4096xf32, #tpu.memory_space<vmem>>
        %dma_start3A_157 = tpu.memref_squeeze %dma_start3A_156 : memref<1x8x4096xf32, #tpu.memory_space<vmem>> -> memref<8x4096xf32, #tpu.memory_space<vmem>>
        %dma_start3A_158 = arith.constant 0 : i32
        %dma_start3A_159 = tpu.memref_slice %arg5[%sub3A_82, %dma_start3A_158] : memref<64x8xi32, #tpu.memory_space<vmem>> -> memref<1x8xi32, #tpu.memory_space<vmem>>
        %dma_start3A_160 = tpu.memref_squeeze %dma_start3A_159 : memref<1x8xi32, #tpu.memory_space<vmem>> -> memref<8xi32, #tpu.memory_space<vmem>>
        %dma_start3A_161 = arith.constant 0 : i32
        %dma_start3A_162 = arith.constant 0 : i32
        %dma_start3A_163 = tpu.memref_slice %arg2[%dma_start3A_161, %dma_start3A_162] : memref<1024x4096xf32, #tpu.memory_space<hbm>> -> memref<1024x4096xf32, #tpu.memory_space<hbm>>
        tpu.enqueue_indirect_dma source(%dma_start3A_163 : memref<1024x4096xf32, #tpu.memory_space<hbm>>) target(%dma_start3A_157 : memref<8x4096xf32, #tpu.memory_space<vmem>>) offsets(%dma_start3A_160 : memref<8xi32, #tpu.memory_space<vmem>>) semaphore(%arg9 : memref<!tpu.dma_semaphore, #tpu.memory_space<semaphore_mem>>)
      } else {
      }
      %lt3A_94 = arith.constant 64 : i32
      %lt3A_95 = arith.cmpi slt, %add3A_79, %lt3A_94 : i32
      %convert_element_type3A_96 = arith.extui %lt3A_95 : i1 to i32
      %cond3A_97 = arith.constant 0 : i32
      %cond3A_98 = arith.cmpi ne, %convert_element_type3A_96, %cond3A_97 : i32
      scf.if %cond3A_98 {
        %dma_wait3A_153 = arith.constant 0 : i32
        %dma_wait3A_154 = arith.constant 0 : i32
        %dma_wait3A_155 = arith.constant 0 : i32
        %dma_wait3A_156 = tpu.memref_slice %arg6[%dma_wait3A_153, %dma_wait3A_154, %dma_wait3A_155] : memref<3x8x4096xf32, #tpu.memory_space<vmem>> -> memref<1x8x4096xf32, #tpu.memory_space<vmem>>
        %dma_wait3A_157 = tpu.memref_squeeze %dma_wait3A_156 : memref<1x8x4096xf32, #tpu.memory_space<vmem>> -> memref<8x4096xf32, #tpu.memory_space<vmem>>
        %dma_wait3A_158 = arith.constant 0 : i32
        %dma_wait3A_159 = tpu.memref_slice %arg5[%add3A_79, %dma_wait3A_158] : memref<64x8xi32, #tpu.memory_space<vmem>> -> memref<1x8xi32, #tpu.memory_space<vmem>>
        %dma_wait3A_160 = tpu.memref_squeeze %dma_wait3A_159 : memref<1x8xi32, #tpu.memory_space<vmem>> -> memref<8xi32, #tpu.memory_space<vmem>>
        %dma_wait3A_161 = arith.constant 0 : i32
        %dma_wait3A_162 = arith.constant 0 : i32
        %dma_wait3A_163 = tpu.memref_slice %arg2[%dma_wait3A_161, %dma_wait3A_162] : memref<1024x4096xf32, #tpu.memory_space<hbm>> -> memref<1024x4096xf32, #tpu.memory_space<hbm>>
        tpu.wait_indirect_dma semaphore(%arg7 : memref<!tpu.dma_semaphore, #tpu.memory_space<semaphore_mem>>) src(%dma_wait3A_163 : memref<1024x4096xf32, #tpu.memory_space<hbm>>) dst(%dma_wait3A_157 : memref<8x4096xf32, #tpu.memory_space<vmem>>)
        %mul3A_164 = arith.constant 8 : i32
        %mul3A_165 = arith.muli %add3A_79, %mul3A_164 : i32
        %add3A_166 = arith.addi %mul3A_2, %mul3A_165 : i32
        %dma_start3A_167 = arith.constant 0 : i32
        %dma_start3A_168 = arith.constant 0 : i32
        %dma_start3A_169 = arith.constant 0 : i32
        %dma_start3A_170 = tpu.memref_slice %arg6[%dma_start3A_167, %dma_start3A_168, %dma_start3A_169] : memref<3x8x4096xf32, #tpu.memory_space<vmem>> -> memref<1x8x4096xf32, #tpu.memory_space<vmem>>
        %dma_start3A_171 = tpu.memref_squeeze %dma_start3A_170 : memref<1x8x4096xf32, #tpu.memory_space<vmem>> -> memref<8x4096xf32, #tpu.memory_space<vmem>>
        %dma_start3A_172 = arith.constant 0 : i32
        %dma_start3A_173 = tpu.memref_slice %arg4[%add3A_166, %dma_start3A_172] : memref<16384x4096xf32, #tpu.memory_space<hbm>> -> memref<8x4096xf32, #tpu.memory_space<hbm>>
        %dma_start3A_174 = arith.constant 0 : i32
        %dma_start3A_175 = tpu.memref_slice %arg4[%add3A_166, %dma_start3A_174] : memref<16384x4096xf32, #tpu.memory_space<hbm>> -> memref<8x4096xf32, #tpu.memory_space<hbm>>
        %dma_start3A_176 = arith.constant 0 : i32
        %dma_start3A_177 = arith.constant 0 : i32
        %dma_start3A_178 = tpu.memref_slice %arg6[%dma_start3A_167, %dma_start3A_176, %dma_start3A_177] : memref<3x8x4096xf32, #tpu.memory_space<vmem>> -> memref<1x8x4096xf32, #tpu.memory_space<vmem>>
        %dma_start3A_179 = tpu.memref_squeeze %dma_start3A_178 : memref<1x8x4096xf32, #tpu.memory_space<vmem>> -> memref<8x4096xf32, #tpu.memory_space<vmem>>
        tpu.enqueue_dma source(%dma_start3A_179 : memref<8x4096xf32, #tpu.memory_space<vmem>>) target(%dma_start3A_175 : memref<8x4096xf32, #tpu.memory_space<hbm>>) target_semaphore(%arg10 : memref<!tpu.dma_semaphore, #tpu.memory_space<semaphore_mem>>)
      } else {
      }
      %add3A_99 = arith.constant 1 : i32
      %add3A_100 = arith.addi %mul3A_77, %add3A_99 : i32
      %add3A_101 = arith.constant 3 : i32
      %add3A_102 = arith.addi %add3A_100, %add3A_101 : i32
      %sub3A_103 = arith.constant 1 : i32
      %sub3A_104 = arith.subi %add3A_102, %sub3A_103 : i32
      %ge3A_105 = arith.constant 1 : i32
      %ge3A_106 = arith.cmpi sge, %add3A_100, %ge3A_105 : i32
      %lt3A_107 = arith.constant 64 : i32
      %lt3A_108 = arith.cmpi slt, %sub3A_104, %lt3A_107 : i32
      %and3A_109 = arith.andi %ge3A_106, %lt3A_108 : i1
      %convert_element_type3A_110 = arith.extui %and3A_109 : i1 to i32
      %cond3A_111 = arith.constant 0 : i32
      %cond3A_112 = arith.cmpi ne, %convert_element_type3A_110, %cond3A_111 : i32
      scf.if %cond3A_112 {
        %sub3A_153 = arith.constant 1 : i32
        %sub3A_154 = arith.subi %add3A_100, %sub3A_153 : i32
        %mul3A_155 = arith.constant 8 : i32
        %mul3A_156 = arith.muli %sub3A_154, %mul3A_155 : i32
        %add3A_157 = arith.addi %mul3A_2, %mul3A_156 : i32
        %dma_wait3A_158 = arith.constant 0 : i32
        %dma_wait3A_159 = arith.constant 0 : i32
        %dma_wait3A_160 = arith.constant 0 : i32
        %dma_wait3A_161 = tpu.memref_slice %arg6[%dma_wait3A_158, %dma_wait3A_159, %dma_wait3A_160] : memref<3x8x4096xf32, #tpu.memory_space<vmem>> -> memref<1x8x4096xf32, #tpu.memory_space<vmem>>
        %dma_wait3A_162 = tpu.memref_squeeze %dma_wait3A_161 : memref<1x8x4096xf32, #tpu.memory_space<vmem>> -> memref<8x4096xf32, #tpu.memory_space<vmem>>
        %dma_wait3A_163 = arith.constant 0 : i32
        %dma_wait3A_164 = tpu.memref_slice %arg4[%add3A_157, %dma_wait3A_163] : memref<16384x4096xf32, #tpu.memory_space<hbm>> -> memref<8x4096xf32, #tpu.memory_space<hbm>>
        %dma_wait3A_165 = arith.constant 0 : i32
        %dma_wait3A_166 = tpu.memref_slice %arg4[%add3A_157, %dma_wait3A_165] : memref<16384x4096xf32, #tpu.memory_space<hbm>> -> memref<8x4096xf32, #tpu.memory_space<hbm>>
        %dma_wait3A_167 = arith.constant 0 : i32
        %dma_wait3A_168 = arith.constant 0 : i32
        %dma_wait3A_169 = tpu.memref_slice %arg6[%dma_wait3A_158, %dma_wait3A_167, %dma_wait3A_168] : memref<3x8x4096xf32, #tpu.memory_space<vmem>> -> memref<1x8x4096xf32, #tpu.memory_space<vmem>>
        %dma_wait3A_170 = tpu.memref_squeeze %dma_wait3A_169 : memref<1x8x4096xf32, #tpu.memory_space<vmem>> -> memref<8x4096xf32, #tpu.memory_space<vmem>>
        tpu.wait_dma2 semaphore(%arg10 : memref<!tpu.dma_semaphore, #tpu.memory_space<semaphore_mem>>) src(%dma_wait3A_170 : memref<8x4096xf32, #tpu.memory_space<vmem>>) dst(%dma_wait3A_166 : memref<8x4096xf32, #tpu.memory_space<hbm>>)
        %dma_start3A_171 = arith.constant 0 : i32
        %dma_start3A_172 = arith.constant 0 : i32
        %dma_start3A_173 = arith.constant 0 : i32
        %dma_start3A_174 = tpu.memref_slice %arg6[%dma_start3A_171, %dma_start3A_172, %dma_start3A_173] : memref<3x8x4096xf32, #tpu.memory_space<vmem>> -> memref<1x8x4096xf32, #tpu.memory_space<vmem>>
        %dma_start3A_175 = tpu.memref_squeeze %dma_start3A_174 : memref<1x8x4096xf32, #tpu.memory_space<vmem>> -> memref<8x4096xf32, #tpu.memory_space<vmem>>
        %dma_start3A_176 = arith.constant 0 : i32
        %dma_start3A_177 = tpu.memref_slice %arg5[%sub3A_104, %dma_start3A_176] : memref<64x8xi32, #tpu.memory_space<vmem>> -> memref<1x8xi32, #tpu.memory_space<vmem>>
        %dma_start3A_178 = tpu.memref_squeeze %dma_start3A_177 : memref<1x8xi32, #tpu.memory_space<vmem>> -> memref<8xi32, #tpu.memory_space<vmem>>
        %dma_start3A_179 = arith.constant 0 : i32
        %dma_start3A_180 = arith.constant 0 : i32
        %dma_start3A_181 = tpu.memref_slice %arg2[%dma_start3A_179, %dma_start3A_180] : memref<1024x4096xf32, #tpu.memory_space<hbm>> -> memref<1024x4096xf32, #tpu.memory_space<hbm>>
        tpu.enqueue_indirect_dma source(%dma_start3A_181 : memref<1024x4096xf32, #tpu.memory_space<hbm>>) target(%dma_start3A_175 : memref<8x4096xf32, #tpu.memory_space<vmem>>) offsets(%dma_start3A_178 : memref<8xi32, #tpu.memory_space<vmem>>) semaphore(%arg7 : memref<!tpu.dma_semaphore, #tpu.memory_space<semaphore_mem>>)
      } else {
      }
      %lt3A_113 = arith.constant 1 : i32
      %lt3A_114 = arith.cmpi slt, %add3A_100, %lt3A_113 : i32
      %lt3A_115 = arith.constant 64 : i32
      %lt3A_116 = arith.cmpi slt, %sub3A_104, %lt3A_115 : i32
      %and3A_117 = arith.andi %lt3A_114, %lt3A_116 : i1
      %convert_element_type3A_118 = arith.extui %and3A_117 : i1 to i32
      %cond3A_119 = arith.constant 0 : i32
      %cond3A_120 = arith.cmpi ne, %convert_element_type3A_118, %cond3A_119 : i32
      scf.if %cond3A_120 {
        %dma_start3A_153 = arith.constant 0 : i32
        %dma_start3A_154 = arith.constant 0 : i32
        %dma_start3A_155 = arith.constant 0 : i32
        %dma_start3A_156 = tpu.memref_slice %arg6[%dma_start3A_153, %dma_start3A_154, %dma_start3A_155] : memref<3x8x4096xf32, #tpu.memory_space<vmem>> -> memref<1x8x4096xf32, #tpu.memory_space<vmem>>
        %dma_start3A_157 = tpu.memref_squeeze %dma_start3A_156 : memref<1x8x4096xf32, #tpu.memory_space<vmem>> -> memref<8x4096xf32, #tpu.memory_space<vmem>>
        %dma_start3A_158 = arith.constant 0 : i32
        %dma_start3A_159 = tpu.memref_slice %arg5[%sub3A_104, %dma_start3A_158] : memref<64x8xi32, #tpu.memory_space<vmem>> -> memref<1x8xi32, #tpu.memory_space<vmem>>
        %dma_start3A_160 = tpu.memref_squeeze %dma_start3A_159 : memref<1x8xi32, #tpu.memory_space<vmem>> -> memref<8xi32, #tpu.memory_space<vmem>>
        %dma_start3A_161 = arith.constant 0 : i32
        %dma_start3A_162 = arith.constant 0 : i32
        %dma_start3A_163 = tpu.memref_slice %arg2[%dma_start3A_161, %dma_start3A_162] : memref<1024x4096xf32, #tpu.memory_space<hbm>> -> memref<1024x4096xf32, #tpu.memory_space<hbm>>
        tpu.enqueue_indirect_dma source(%dma_start3A_163 : memref<1024x4096xf32, #tpu.memory_space<hbm>>) target(%dma_start3A_157 : memref<8x4096xf32, #tpu.memory_space<vmem>>) offsets(%dma_start3A_160 : memref<8xi32, #tpu.memory_space<vmem>>) semaphore(%arg7 : memref<!tpu.dma_semaphore, #tpu.memory_space<semaphore_mem>>)
      } else {
      }
      %lt3A_121 = arith.constant 64 : i32
      %lt3A_122 = arith.cmpi slt, %add3A_100, %lt3A_121 : i32
      %convert_element_type3A_123 = arith.extui %lt3A_122 : i1 to i32
      %cond3A_124 = arith.constant 0 : i32
      %cond3A_125 = arith.cmpi ne, %convert_element_type3A_123, %cond3A_124 : i32
      scf.if %cond3A_125 {
        %dma_wait3A_153 = arith.constant 1 : i32
        %dma_wait3A_154 = arith.constant 0 : i32
        %dma_wait3A_155 = arith.constant 0 : i32
        %dma_wait3A_156 = tpu.memref_slice %arg6[%dma_wait3A_153, %dma_wait3A_154, %dma_wait3A_155] : memref<3x8x4096xf32, #tpu.memory_space<vmem>> -> memref<1x8x4096xf32, #tpu.memory_space<vmem>>
        %dma_wait3A_157 = tpu.memref_squeeze %dma_wait3A_156 : memref<1x8x4096xf32, #tpu.memory_space<vmem>> -> memref<8x4096xf32, #tpu.memory_space<vmem>>
        %dma_wait3A_158 = arith.constant 0 : i32
        %dma_wait3A_159 = tpu.memref_slice %arg5[%add3A_100, %dma_wait3A_158] : memref<64x8xi32, #tpu.memory_space<vmem>> -> memref<1x8xi32, #tpu.memory_space<vmem>>
        %dma_wait3A_160 = tpu.memref_squeeze %dma_wait3A_159 : memref<1x8xi32, #tpu.memory_space<vmem>> -> memref<8xi32, #tpu.memory_space<vmem>>
        %dma_wait3A_161 = arith.constant 0 : i32
        %dma_wait3A_162 = arith.constant 0 : i32
        %dma_wait3A_163 = tpu.memref_slice %arg2[%dma_wait3A_161, %dma_wait3A_162] : memref<1024x4096xf32, #tpu.memory_space<hbm>> -> memref<1024x4096xf32, #tpu.memory_space<hbm>>
        tpu.wait_indirect_dma semaphore(%arg8 : memref<!tpu.dma_semaphore, #tpu.memory_space<semaphore_mem>>) src(%dma_wait3A_163 : memref<1024x4096xf32, #tpu.memory_space<hbm>>) dst(%dma_wait3A_157 : memref<8x4096xf32, #tpu.memory_space<vmem>>)
        %mul3A_164 = arith.constant 8 : i32
        %mul3A_165 = arith.muli %add3A_100, %mul3A_164 : i32
        %add3A_166 = arith.addi %mul3A_2, %mul3A_165 : i32
        %dma_start3A_167 = arith.constant 1 : i32
        %dma_start3A_168 = arith.constant 0 : i32
        %dma_start3A_169 = arith.constant 0 : i32
        %dma_start3A_170 = tpu.memref_slice %arg6[%dma_start3A_167, %dma_start3A_168, %dma_start3A_169] : memref<3x8x4096xf32, #tpu.memory_space<vmem>> -> memref<1x8x4096xf32, #tpu.memory_space<vmem>>
        %dma_start3A_171 = tpu.memref_squeeze %dma_start3A_170 : memref<1x8x4096xf32, #tpu.memory_space<vmem>> -> memref<8x4096xf32, #tpu.memory_space<vmem>>
        %dma_start3A_172 = arith.constant 0 : i32
        %dma_start3A_173 = tpu.memref_slice %arg4[%add3A_166, %dma_start3A_172] : memref<16384x4096xf32, #tpu.memory_space<hbm>> -> memref<8x4096xf32, #tpu.memory_space<hbm>>
        %dma_start3A_174 = arith.constant 0 : i32
        %dma_start3A_175 = tpu.memref_slice %arg4[%add3A_166, %dma_start3A_174] : memref<16384x4096xf32, #tpu.memory_space<hbm>> -> memref<8x4096xf32, #tpu.memory_space<hbm>>
        %dma_start3A_176 = arith.constant 0 : i32
        %dma_start3A_177 = arith.constant 0 : i32
        %dma_start3A_178 = tpu.memref_slice %arg6[%dma_start3A_167, %dma_start3A_176, %dma_start3A_177] : memref<3x8x4096xf32, #tpu.memory_space<vmem>> -> memref<1x8x4096xf32, #tpu.memory_space<vmem>>
        %dma_start3A_179 = tpu.memref_squeeze %dma_start3A_178 : memref<1x8x4096xf32, #tpu.memory_space<vmem>> -> memref<8x4096xf32, #tpu.memory_space<vmem>>
        tpu.enqueue_dma source(%dma_start3A_179 : memref<8x4096xf32, #tpu.memory_space<vmem>>) target(%dma_start3A_175 : memref<8x4096xf32, #tpu.memory_space<hbm>>) target_semaphore(%arg11 : memref<!tpu.dma_semaphore, #tpu.memory_space<semaphore_mem>>)
      } else {
      }
      %add3A_126 = arith.constant 2 : i32
      %add3A_127 = arith.addi %mul3A_77, %add3A_126 : i32
      %add3A_128 = arith.constant 3 : i32
      %add3A_129 = arith.addi %add3A_127, %add3A_128 : i32
      %sub3A_130 = arith.constant 1 : i32
      %sub3A_131 = arith.subi %add3A_129, %sub3A_130 : i32
      %ge3A_132 = arith.constant 1 : i32
      %ge3A_133 = arith.cmpi sge, %add3A_127, %ge3A_132 : i32
      %lt3A_134 = arith.constant 64 : i32
      %lt3A_135 = arith.cmpi slt, %sub3A_131, %lt3A_134 : i32
      %and3A_136 = arith.andi %ge3A_133, %lt3A_135 : i1
      %convert_element_type3A_137 = arith.extui %and3A_136 : i1 to i32
      %cond3A_138 = arith.constant 0 : i32
      %cond3A_139 = arith.cmpi ne, %convert_element_type3A_137, %cond3A_138 : i32
      scf.if %cond3A_139 {
        %sub3A_153 = arith.constant 1 : i32
        %sub3A_154 = arith.subi %add3A_127, %sub3A_153 : i32
        %mul3A_155 = arith.constant 8 : i32
        %mul3A_156 = arith.muli %sub3A_154, %mul3A_155 : i32
        %add3A_157 = arith.addi %mul3A_2, %mul3A_156 : i32
        %dma_wait3A_158 = arith.constant 1 : i32
        %dma_wait3A_159 = arith.constant 0 : i32
        %dma_wait3A_160 = arith.constant 0 : i32
        %dma_wait3A_161 = tpu.memref_slice %arg6[%dma_wait3A_158, %dma_wait3A_159, %dma_wait3A_160] : memref<3x8x4096xf32, #tpu.memory_space<vmem>> -> memref<1x8x4096xf32, #tpu.memory_space<vmem>>
        %dma_wait3A_162 = tpu.memref_squeeze %dma_wait3A_161 : memref<1x8x4096xf32, #tpu.memory_space<vmem>> -> memref<8x4096xf32, #tpu.memory_space<vmem>>
        %dma_wait3A_163 = arith.constant 0 : i32
        %dma_wait3A_164 = tpu.memref_slice %arg4[%add3A_157, %dma_wait3A_163] : memref<16384x4096xf32, #tpu.memory_space<hbm>> -> memref<8x4096xf32, #tpu.memory_space<hbm>>
        %dma_wait3A_165 = arith.constant 0 : i32
        %dma_wait3A_166 = tpu.memref_slice %arg4[%add3A_157, %dma_wait3A_165] : memref<16384x4096xf32, #tpu.memory_space<hbm>> -> memref<8x4096xf32, #tpu.memory_space<hbm>>
        %dma_wait3A_167 = arith.constant 0 : i32
        %dma_wait3A_168 = arith.constant 0 : i32
        %dma_wait3A_169 = tpu.memref_slice %arg6[%dma_wait3A_158, %dma_wait3A_167, %dma_wait3A_168] : memref<3x8x4096xf32, #tpu.memory_space<vmem>> -> memref<1x8x4096xf32, #tpu.memory_space<vmem>>
        %dma_wait3A_170 = tpu.memref_squeeze %dma_wait3A_169 : memref<1x8x4096xf32, #tpu.memory_space<vmem>> -> memref<8x4096xf32, #tpu.memory_space<vmem>>
        tpu.wait_dma2 semaphore(%arg11 : memref<!tpu.dma_semaphore, #tpu.memory_space<semaphore_mem>>) src(%dma_wait3A_170 : memref<8x4096xf32, #tpu.memory_space<vmem>>) dst(%dma_wait3A_166 : memref<8x4096xf32, #tpu.memory_space<hbm>>)
        %dma_start3A_171 = arith.constant 1 : i32
        %dma_start3A_172 = arith.constant 0 : i32
        %dma_start3A_173 = arith.constant 0 : i32
        %dma_start3A_174 = tpu.memref_slice %arg6[%dma_start3A_171, %dma_start3A_172, %dma_start3A_173] : memref<3x8x4096xf32, #tpu.memory_space<vmem>> -> memref<1x8x4096xf32, #tpu.memory_space<vmem>>
        %dma_start3A_175 = tpu.memref_squeeze %dma_start3A_174 : memref<1x8x4096xf32, #tpu.memory_space<vmem>> -> memref<8x4096xf32, #tpu.memory_space<vmem>>
        %dma_start3A_176 = arith.constant 0 : i32
        %dma_start3A_177 = tpu.memref_slice %arg5[%sub3A_131, %dma_start3A_176] : memref<64x8xi32, #tpu.memory_space<vmem>> -> memref<1x8xi32, #tpu.memory_space<vmem>>
        %dma_start3A_178 = tpu.memref_squeeze %dma_start3A_177 : memref<1x8xi32, #tpu.memory_space<vmem>> -> memref<8xi32, #tpu.memory_space<vmem>>
        %dma_start3A_179 = arith.constant 0 : i32
        %dma_start3A_180 = arith.constant 0 : i32
        %dma_start3A_181 = tpu.memref_slice %arg2[%dma_start3A_179, %dma_start3A_180] : memref<1024x4096xf32, #tpu.memory_space<hbm>> -> memref<1024x4096xf32, #tpu.memory_space<hbm>>
        tpu.enqueue_indirect_dma source(%dma_start3A_181 : memref<1024x4096xf32, #tpu.memory_space<hbm>>) target(%dma_start3A_175 : memref<8x4096xf32, #tpu.memory_space<vmem>>) offsets(%dma_start3A_178 : memref<8xi32, #tpu.memory_space<vmem>>) semaphore(%arg8 : memref<!tpu.dma_semaphore, #tpu.memory_space<semaphore_mem>>)
      } else {
      }
      %lt3A_140 = arith.constant 1 : i32
      %lt3A_141 = arith.cmpi slt, %add3A_127, %lt3A_140 : i32
      %lt3A_142 = arith.constant 64 : i32
      %lt3A_143 = arith.cmpi slt, %sub3A_131, %lt3A_142 : i32
      %and3A_144 = arith.andi %lt3A_141, %lt3A_143 : i1
      %convert_element_type3A_145 = arith.extui %and3A_144 : i1 to i32
      %cond3A_146 = arith.constant 0 : i32
      %cond3A_147 = arith.cmpi ne, %convert_element_type3A_145, %cond3A_146 : i32
      scf.if %cond3A_147 {
        %dma_start3A_153 = arith.constant 1 : i32
        %dma_start3A_154 = arith.constant 0 : i32
        %dma_start3A_155 = arith.constant 0 : i32
        %dma_start3A_156 = tpu.memref_slice %arg6[%dma_start3A_153, %dma_start3A_154, %dma_start3A_155] : memref<3x8x4096xf32, #tpu.memory_space<vmem>> -> memref<1x8x4096xf32, #tpu.memory_space<vmem>>
        %dma_start3A_157 = tpu.memref_squeeze %dma_start3A_156 : memref<1x8x4096xf32, #tpu.memory_space<vmem>> -> memref<8x4096xf32, #tpu.memory_space<vmem>>
        %dma_start3A_158 = arith.constant 0 : i32
        %dma_start3A_159 = tpu.memref_slice %arg5[%sub3A_131, %dma_start3A_158] : memref<64x8xi32, #tpu.memory_space<vmem>> -> memref<1x8xi32, #tpu.memory_space<vmem>>
        %dma_start3A_160 = tpu.memref_squeeze %dma_start3A_159 : memref<1x8xi32, #tpu.memory_space<vmem>> -> memref<8xi32, #tpu.memory_space<vmem>>
        %dma_start3A_161 = arith.constant 0 : i32
        %dma_start3A_162 = arith.constant 0 : i32
        %dma_start3A_163 = tpu.memref_slice %arg2[%dma_start3A_161, %dma_start3A_162] : memref<1024x4096xf32, #tpu.memory_space<hbm>> -> memref<1024x4096xf32, #tpu.memory_space<hbm>>
        tpu.enqueue_indirect_dma source(%dma_start3A_163 : memref<1024x4096xf32, #tpu.memory_space<hbm>>) target(%dma_start3A_157 : memref<8x4096xf32, #tpu.memory_space<vmem>>) offsets(%dma_start3A_160 : memref<8xi32, #tpu.memory_space<vmem>>) semaphore(%arg8 : memref<!tpu.dma_semaphore, #tpu.memory_space<semaphore_mem>>)
      } else {
      }
      %lt3A_148 = arith.constant 64 : i32
      %lt3A_149 = arith.cmpi slt, %add3A_127, %lt3A_148 : i32
      %convert_element_type3A_150 = arith.extui %lt3A_149 : i1 to i32
      %cond3A_151 = arith.constant 0 : i32
      %cond3A_152 = arith.cmpi ne, %convert_element_type3A_150, %cond3A_151 : i32
      scf.if %cond3A_152 {
        %dma_wait3A_153 = arith.constant 2 : i32
        %dma_wait3A_154 = arith.constant 0 : i32
        %dma_wait3A_155 = arith.constant 0 : i32
        %dma_wait3A_156 = tpu.memref_slice %arg6[%dma_wait3A_153, %dma_wait3A_154, %dma_wait3A_155] : memref<3x8x4096xf32, #tpu.memory_space<vmem>> -> memref<1x8x4096xf32, #tpu.memory_space<vmem>>
        %dma_wait3A_157 = tpu.memref_squeeze %dma_wait3A_156 : memref<1x8x4096xf32, #tpu.memory_space<vmem>> -> memref<8x4096xf32, #tpu.memory_space<vmem>>
        %dma_wait3A_158 = arith.constant 0 : i32
        %dma_wait3A_159 = tpu.memref_slice %arg5[%add3A_127, %dma_wait3A_158] : memref<64x8xi32, #tpu.memory_space<vmem>> -> memref<1x8xi32, #tpu.memory_space<vmem>>
        %dma_wait3A_160 = tpu.memref_squeeze %dma_wait3A_159 : memref<1x8xi32, #tpu.memory_space<vmem>> -> memref<8xi32, #tpu.memory_space<vmem>>
        %dma_wait3A_161 = arith.constant 0 : i32
        %dma_wait3A_162 = arith.constant 0 : i32
        %dma_wait3A_163 = tpu.memref_slice %arg2[%dma_wait3A_161, %dma_wait3A_162] : memref<1024x4096xf32, #tpu.memory_space<hbm>> -> memref<1024x4096xf32, #tpu.memory_space<hbm>>
        tpu.wait_indirect_dma semaphore(%arg9 : memref<!tpu.dma_semaphore, #tpu.memory_space<semaphore_mem>>) src(%dma_wait3A_163 : memref<1024x4096xf32, #tpu.memory_space<hbm>>) dst(%dma_wait3A_157 : memref<8x4096xf32, #tpu.memory_space<vmem>>)
        %mul3A_164 = arith.constant 8 : i32
        %mul3A_165 = arith.muli %add3A_127, %mul3A_164 : i32
        %add3A_166 = arith.addi %mul3A_2, %mul3A_165 : i32
        %dma_start3A_167 = arith.constant 2 : i32
        %dma_start3A_168 = arith.constant 0 : i32
        %dma_start3A_169 = arith.constant 0 : i32
        %dma_start3A_170 = tpu.memref_slice %arg6[%dma_start3A_167, %dma_start3A_168, %dma_start3A_169] : memref<3x8x4096xf32, #tpu.memory_space<vmem>> -> memref<1x8x4096xf32, #tpu.memory_space<vmem>>
        %dma_start3A_171 = tpu.memref_squeeze %dma_start3A_170 : memref<1x8x4096xf32, #tpu.memory_space<vmem>> -> memref<8x4096xf32, #tpu.memory_space<vmem>>
        %dma_start3A_172 = arith.constant 0 : i32
        %dma_start3A_173 = tpu.memref_slice %arg4[%add3A_166, %dma_start3A_172] : memref<16384x4096xf32, #tpu.memory_space<hbm>> -> memref<8x4096xf32, #tpu.memory_space<hbm>>
        %dma_start3A_174 = arith.constant 0 : i32
        %dma_start3A_175 = tpu.memref_slice %arg4[%add3A_166, %dma_start3A_174] : memref<16384x4096xf32, #tpu.memory_space<hbm>> -> memref<8x4096xf32, #tpu.memory_space<hbm>>
        %dma_start3A_176 = arith.constant 0 : i32
        %dma_start3A_177 = arith.constant 0 : i32
        %dma_start3A_178 = tpu.memref_slice %arg6[%dma_start3A_167, %dma_start3A_176, %dma_start3A_177] : memref<3x8x4096xf32, #tpu.memory_space<vmem>> -> memref<1x8x4096xf32, #tpu.memory_space<vmem>>
        %dma_start3A_179 = tpu.memref_squeeze %dma_start3A_178 : memref<1x8x4096xf32, #tpu.memory_space<vmem>> -> memref<8x4096xf32, #tpu.memory_space<vmem>>
        tpu.enqueue_dma source(%dma_start3A_179 : memref<8x4096xf32, #tpu.memory_space<vmem>>) target(%dma_start3A_175 : memref<8x4096xf32, #tpu.memory_space<hbm>>) target_semaphore(%arg12 : memref<!tpu.dma_semaphore, #tpu.memory_space<semaphore_mem>>)
      } else {
      }
    }
    %scan3A_30 = arith.constant 22 : i32
    %add3A_31 = arith.constant 488 : i32
    %add3A_32 = arith.addi %mul3A_2, %add3A_31 : i32
    %dma_wait3A = arith.constant 1 : i32
    %dma_wait3A_33 = arith.constant 0 : i32
    %dma_wait3A_34 = arith.constant 0 : i32
    %dma_wait3A_35 = tpu.memref_slice %arg6[%dma_wait3A, %dma_wait3A_33, %dma_wait3A_34] : memref<3x8x4096xf32, #tpu.memory_space<vmem>> -> memref<1x8x4096xf32, #tpu.memory_space<vmem>>
    %dma_wait3A_36 = tpu.memref_squeeze %dma_wait3A_35 : memref<1x8x4096xf32, #tpu.memory_space<vmem>> -> memref<8x4096xf32, #tpu.memory_space<vmem>>
    %dma_wait3A_37 = arith.constant 0 : i32
    %dma_wait3A_38 = tpu.memref_slice %arg4[%add3A_32, %dma_wait3A_37] : memref<16384x4096xf32, #tpu.memory_space<hbm>> -> memref<8x4096xf32, #tpu.memory_space<hbm>>
    %dma_wait3A_39 = arith.constant 0 : i32
    %dma_wait3A_40 = tpu.memref_slice %arg4[%add3A_32, %dma_wait3A_39] : memref<16384x4096xf32, #tpu.memory_space<hbm>> -> memref<8x4096xf32, #tpu.memory_space<hbm>>
    %dma_wait3A_41 = arith.constant 0 : i32
    %dma_wait3A_42 = arith.constant 0 : i32
    %dma_wait3A_43 = tpu.memref_slice %arg6[%dma_wait3A, %dma_wait3A_41, %dma_wait3A_42] : memref<3x8x4096xf32, #tpu.memory_space<vmem>> -> memref<1x8x4096xf32, #tpu.memory_space<vmem>>
    %dma_wait3A_44 = tpu.memref_squeeze %dma_wait3A_43 : memref<1x8x4096xf32, #tpu.memory_space<vmem>> -> memref<8x4096xf32, #tpu.memory_space<vmem>>
    tpu.wait_dma2 semaphore(%arg11 : memref<!tpu.dma_semaphore, #tpu.memory_space<semaphore_mem>>) src(%dma_wait3A_44 : memref<8x4096xf32, #tpu.memory_space<vmem>>) dst(%dma_wait3A_40 : memref<8x4096xf32, #tpu.memory_space<hbm>>)
    %add3A_45 = arith.constant 496 : i32
    %add3A_46 = arith.addi %mul3A_2, %add3A_45 : i32
    %dma_wait3A_47 = arith.constant 2 : i32
    %dma_wait3A_48 = arith.constant 0 : i32
    %dma_wait3A_49 = arith.constant 0 : i32
    %dma_wait3A_50 = tpu.memref_slice %arg6[%dma_wait3A_47, %dma_wait3A_48, %dma_wait3A_49] : memref<3x8x4096xf32, #tpu.memory_space<vmem>> -> memref<1x8x4096xf32, #tpu.memory_space<vmem>>
    %dma_wait3A_51 = tpu.memref_squeeze %dma_wait3A_50 : memref<1x8x4096xf32, #tpu.memory_space<vmem>> -> memref<8x4096xf32, #tpu.memory_space<vmem>>
    %dma_wait3A_52 = arith.constant 0 : i32
    %dma_wait3A_53 = tpu.memref_slice %arg4[%add3A_46, %dma_wait3A_52] : memref<16384x4096xf32, #tpu.memory_space<hbm>> -> memref<8x4096xf32, #tpu.memory_space<hbm>>
    %dma_wait3A_54 = arith.constant 0 : i32
    %dma_wait3A_55 = tpu.memref_slice %arg4[%add3A_46, %dma_wait3A_54] : memref<16384x4096xf32, #tpu.memory_space<hbm>> -> memref<8x4096xf32, #tpu.memory_space<hbm>>
    %dma_wait3A_56 = arith.constant 0 : i32
    %dma_wait3A_57 = arith.constant 0 : i32
    %dma_wait3A_58 = tpu.memref_slice %arg6[%dma_wait3A_47, %dma_wait3A_56, %dma_wait3A_57] : memref<3x8x4096xf32, #tpu.memory_space<vmem>> -> memref<1x8x4096xf32, #tpu.memory_space<vmem>>
    %dma_wait3A_59 = tpu.memref_squeeze %dma_wait3A_58 : memref<1x8x4096xf32, #tpu.memory_space<vmem>> -> memref<8x4096xf32, #tpu.memory_space<vmem>>
    tpu.wait_dma2 semaphore(%arg12 : memref<!tpu.dma_semaphore, #tpu.memory_space<semaphore_mem>>) src(%dma_wait3A_59 : memref<8x4096xf32, #tpu.memory_space<vmem>>) dst(%dma_wait3A_55 : memref<8x4096xf32, #tpu.memory_space<hbm>>)
    %add3A_60 = arith.constant 504 : i32
    %add3A_61 = arith.addi %mul3A_2, %add3A_60 : i32
    %dma_wait3A_62 = arith.constant 0 : i32
    %dma_wait3A_63 = arith.constant 0 : i32
    %dma_wait3A_64 = arith.constant 0 : i32
    %dma_wait3A_65 = tpu.memref_slice %arg6[%dma_wait3A_62, %dma_wait3A_63, %dma_wait3A_64] : memref<3x8x4096xf32, #tpu.memory_space<vmem>> -> memref<1x8x4096xf32, #tpu.memory_space<vmem>>
    %dma_wait3A_66 = tpu.memref_squeeze %dma_wait3A_65 : memref<1x8x4096xf32, #tpu.memory_space<vmem>> -> memref<8x4096xf32, #tpu.memory_space<vmem>>
    %dma_wait3A_67 = arith.constant 0 : i32
    %dma_wait3A_68 = tpu.memref_slice %arg4[%add3A_61, %dma_wait3A_67] : memref<16384x4096xf32, #tpu.memory_space<hbm>> -> memref<8x4096xf32, #tpu.memory_space<hbm>>
    %dma_wait3A_69 = arith.constant 0 : i32
    %dma_wait3A_70 = tpu.memref_slice %arg4[%add3A_61, %dma_wait3A_69] : memref<16384x4096xf32, #tpu.memory_space<hbm>> -> memref<8x4096xf32, #tpu.memory_space<hbm>>
    %dma_wait3A_71 = arith.constant 0 : i32
    %dma_wait3A_72 = arith.constant 0 : i32
    %dma_wait3A_73 = tpu.memref_slice %arg6[%dma_wait3A_62, %dma_wait3A_71, %dma_wait3A_72] : memref<3x8x4096xf32, #tpu.memory_space<vmem>> -> memref<1x8x4096xf32, #tpu.memory_space<vmem>>
    %dma_wait3A_74 = tpu.memref_squeeze %dma_wait3A_73 : memref<1x8x4096xf32, #tpu.memory_space<vmem>> -> memref<8x4096xf32, #tpu.memory_space<vmem>>
    tpu.wait_dma2 semaphore(%arg10 : memref<!tpu.dma_semaphore, #tpu.memory_space<semaphore_mem>>) src(%dma_wait3A_74 : memref<8x4096xf32, #tpu.memory_space<vmem>>) dst(%dma_wait3A_70 : memref<8x4096xf32, #tpu.memory_space<hbm>>)
    return
  }
}

module attributes {stable_mosaic.version = 14 : i64} {
  func.func @_merge_body(%arg0: i32, %arg1: memref<128x4096xf32, #tpu.memory_space<vmem>>, %arg2: memref<128x4096xf32, #tpu.memory_space<vmem>>, %arg3: memref<128x4096xf32, #tpu.memory_space<vmem>>) attributes {dimension_semantics = [#tpu.dimension_semantics<arbitrary>], iteration_bounds = array<i64: 8>, scalar_prefetch = 0 : i64, scratch_operands = 0 : i64, tpu.core_type = #tpu.core_type<tc>, window_params = [{transform_indices = @transform_0, window_bounds = array<i64: 128, 4096>}, {transform_indices = @transform_1, window_bounds = array<i64: 128, 4096>}, {transform_indices = @transform_2, window_bounds = array<i64: 128, 4096>}]} {
    %lt3A = arith.constant 2 : i32
    %lt3A_0 = arith.cmpi slt, %arg0, %lt3A : i32
    %convert_element_type3A = arith.extui %lt3A_0 : i1 to i32
    %cond3A = arith.constant 0 : i32
    %cond3A_1 = arith.cmpi ne, %convert_element_type3A, %cond3A : i32
    scf.if %cond3A_1 {
      %get3A = arith.constant 0 : index
      %get3A_6 = arith.constant 0 : index
      %get3A_7 = vector.load %arg1[%get3A, %get3A_6] : memref<128x4096xf32, #tpu.memory_space<vmem>>, vector<128x4096xf32>
      %swap3A = arith.constant 0 : index
      %swap3A_8 = arith.constant 0 : index
      %swap3A_9 = vector.load %arg3[%swap3A, %swap3A_8] : memref<128x4096xf32, #tpu.memory_space<vmem>>, vector<128x4096xf32>
      tpu.vector_store %arg3[%swap3A, %swap3A_8], %get3A_7 {strides = array<i32>} : memref<128x4096xf32, #tpu.memory_space<vmem>>, vector<128x4096xf32>,
    } else {
    }
    %ge3A = arith.constant 2 : i32
    %ge3A_2 = arith.cmpi sge, %arg0, %ge3A : i32
    %convert_element_type3A_3 = arith.extui %ge3A_2 : i1 to i32
    %cond3A_4 = arith.constant 0 : i32
    %cond3A_5 = arith.cmpi ne, %convert_element_type3A_3, %cond3A_4 : i32
    scf.if %cond3A_5 {
      %get3A = arith.constant 0 : index
      %get3A_6 = arith.constant 0 : index
      %get3A_7 = vector.load %arg2[%get3A, %get3A_6] : memref<128x4096xf32, #tpu.memory_space<vmem>>, vector<128x4096xf32>
      %swap3A = arith.constant 0 : index
      %swap3A_8 = arith.constant 0 : index
      %swap3A_9 = vector.load %arg3[%swap3A, %swap3A_8] : memref<128x4096xf32, #tpu.memory_space<vmem>>, vector<128x4096xf32>
      tpu.vector_store %arg3[%swap3A, %swap3A_8], %get3A_7 {strides = array<i32>} : memref<128x4096xf32, #tpu.memory_space<vmem>>, vector<128x4096xf32>,
    } else {
    }
    return
  }
  func.func @transform_0(%arg0: i32) -> (i32, i32) {
    %min3A = arith.constant 1 : i32
    %min3A_0 = arith.minsi %arg0, %min3A : i32
    %c0_i32 = arith.constant 0 : i32
    %c0_i32_1 = arith.constant 0 : i32
    return %min3A_0, %c0_i32 : i32, i32
  }
  func.func @transform_1(%arg0: i32) -> (i32, i32) {
    %sub3A = arith.constant 2 : i32
    %sub3A_0 = arith.subi %arg0, %sub3A : i32
    %max3A = arith.constant 0 : i32
    %max3A_1 = arith.maxsi %sub3A_0, %max3A : i32
    %c0_i32 = arith.constant 0 : i32
    %c0_i32_2 = arith.constant 0 : i32
    return %max3A_1, %c0_i32 : i32, i32
  }
  func.func @transform_2(%arg0: i32) -> (i32, i32) {
    %c0_i32 = arith.constant 0 : i32
    %c0_i32_0 = arith.constant 0 : i32
    return %arg0, %c0_i32 : i32, i32
  }
}

</mosaic_0001>

<sc_bundles>
// kernel: kernel.4.cloned.1.call-start
scs
__scs_entry_jumppad:
0x0: {  	(pc) =	sbr.rel $0x88, $3  }
0x1: {  	(tag) =	ssettag $0x0;
	lr =	simm.s32 $0x1  }
0x2: {  	[smem:$0x3F9E] =	sst lr;
	_ =	strace $0xD0000000  }
0x3: {  	_ = 	snop  }
0x4: {  	_ = 	snop  }
0x5: {  	_ = 	snop  }
0x6: {  	_ = 	snop  }
0x7: {  	_ = 	snop  }
__scs_overlays_trampoline_lowered:
0x8: {  	[smem:$0x3FAD] =	sst s0  }
0x9: {  	[smem:$0x3FAE] =	sst s1  }
0xa: {  	[smem:$0x3FAF] =	sst s2  }
0xb: {  	[smem:$0x3FB0] =	sst s3  }
0xc: {  	[smem:$0x3FB1] =	sst s4  }
0xd: {  	[smem:$0x3FB2] =	sst s5  }
0xe: {  	[smem:$0x3FB3] =	sst s6  }
0xf: {  	[smem:$0x3FB4] =	sst s7  }
0x10: {  	[smem:$0x3FB5] =	sst s8  }
0x11: {  	[smem:$0x3FB6] =	sst s9;
	s0 =	simm.s32 @!p0 $0x0  }
0x12: {  	s1 =	sld [smem:$0x3F9C];
	s0 =	simm.s32 @p0 $0x1  }
0x13: {  	[smem:$0x3FB7] =	sst s0;
	s0 =	simm.s32 @!p1 $0x0  }
0x14: {  	s2 =	sld [smem:$0x3F9B];
	s0 =	simm.s32 @p1 $0x1  }
0x15: {  	[smem:$0x3FB8] =	sst s0;
	s0 =	simm.s32 @!p2 $0x0  }
0x16: {  	s3 =	sld [smem:$0x3FDB];
	s0 =	simm.s32 @p2 $0x1  }
0x17: {  	s4 =	simm.s32 $0x1BF5;
	[smem:$0x3FBA] =	sst s0  }
0x18: {  	s0 =	sld [smem:$0x3F9D];
	_ =	swait.ge [sflag:s4], $0x0  }
0x19: {  	s7 =	sld [smem:$0x3F9E]  }
0x1a: {  	s8 =	sadd.s32 $0xFFFFE003, lr  }
0x1b: {  	s9 =	sadd.s32 $0xFFFFFEF7, lr;
	s5 =	simm.s32 $0xFFFFFFFF;
	p2 =	slt.u32 s8, $0xFFFFF086  }
0x1c: {  	p1 =	slt.u32 s9, $0xF7A;
	s5 =	simm.s32 @!p2 $0x0  }
0x1d: {  	s5 =	simm.s32 @p1 $0x1;
	p0 =	seq.s32 s7, s2  }
0x1e: {  	s7 =	smul.u32 @!p0 $0xF7A, s2;
	p2 =	seq.s32 @!p0 s5, $0x0  }
0x1f: {  	s9 =	smul.u32 $0xF7A, s1;
	s8 =	simm.s32 @!p0 $0x1BF5;
	p2 =	por !p2, p0  }
0x20: {  	[sflag:s8] =	ssyncset.s32 @!p0 $0xFFFFF086;
	s6 =	sadd.s32 @!p0 s3, s7;
	s7 =	simm.s32 @!p0 $0x108  }
0x21: {  	s3 =	sadd.s32 s3, s9;
	s6 =	sadd.s32 @!p0 $0x88, s6;
	s7 =	simm.s32 @p2 $0x1082  }
0x22: {  	[simem:s7], [sflag:s8] =	dma.local @!p0 [hbm:s6], $0xF7A  }
0x23: {  	s9 =	sor.u32 $0xD0000000, s2;
	s6 =	simm.s32 $0x108;
	_ =	swait.ge @!p0 [sflag:s8], $0x0  }
0x24: {  	s3 =	sadd.s32 $0x88, s3;
	s6 =	simm.s32 @!p1 $0x1082;
	[sflag:s4] =	ssyncset.s32 $0xFFFFF086  }
0x25: {  	[simem:s6], [sflag:s4] =	dma.local [hbm:s3], $0xF7A  }
0x26: {  	[smem:$0x3F9E] =	sst s1;
	(tag) =	ssettag s2;
	_ =	strace s9  }
0x27: {  	s1 =	sld [smem:$0x3FAE]  }
0x28: {  	s2 =	sld [smem:$0x3FAF]  }
0x29: {  	s4 =	sld [smem:$0x3FB1]  }
0x2a: {  	p0 =	seq.s32 s5, $0x0;
	s5 =	sld [smem:$0x3FB2]  }
0x2b: {  	s6 =	sld [smem:$0x3FB3]  }
0x2c: {  	s7 =	sld [smem:$0x3FB4]  }
0x2d: {  	s3 =	simm.s32 $0x108;
	s8 =	sld [smem:$0x3FB5]  }
0x2e: {  	s3 =	simm.s32 @!p0 $0x1082;
	s9 =	sld [smem:$0x3FB6]  }
0x2f: {  	lr =	sadd.s32 s0, s3;
	s0 =	sld [smem:$0x3FAD]  }
0x30: {  	s3 =	sld [smem:$0x3FB0]  }
0x31: {  	[smem:$0x3FB9] =	sst s10  }
0x32: {  	s10 =	sld [smem:$0x3FB7];
	_ =	sdelay $0x3  }
0x33: {  	p0 =	seq.s32 s10, $0x1;
	s10 =	sld [smem:$0x3FB9];
	_ =	sdelay $0x3  }
0x34: {  	[smem:$0x3FB9] =	sst s10  }
0x35: {  	s10 =	sld [smem:$0x3FB8];
	_ =	sdelay $0x3  }
0x36: {  	p1 =	seq.s32 s10, $0x1;
	s10 =	sld [smem:$0x3FB9];
	_ =	sdelay $0x3  }
0x37: {  	[smem:$0x3FB9] =	sst s10  }
0x38: {  	s10 =	sld [smem:$0x3FBA]  }
0x39: {  	_ = 	snop;
	(pc) =	sbr.ind lr, $3  }
0x3a: {  	_ = 	snop  }
0x3b: {  	_ = 	snop  }
0x3c: {  	p2 =	seq.s32 s10, $0x1;
	s10 =	sld [smem:$0x3FB9]  }
0x3d: {  	_ =	shalt  }
0x3e: {  	_ =	shalt  }
0x3f: {  	_ =	shalt  }
0x40: {  	_ =	shalt  }
0x41: {  	_ =	shalt  }
0x42: {  	_ =	shalt  }
0x43: {  	_ =	shalt  }
0x44: {  	_ =	shalt  }
0x45: {  	_ =	shalt  }
0x46: {  	_ =	shalt  }
0x47: {  	_ =	shalt  }
0x48: {  	_ =	shalt  }
0x49: {  	_ =	shalt  }
0x4a: {  	_ =	shalt  }
0x4b: {  	_ =	shalt  }
0x4c: {  	_ =	shalt  }
0x4d: {  	_ =	shalt  }
0x4e: {  	_ =	shalt  }
0x4f: {  	_ =	shalt  }
0x50: {  	_ =	shalt  }
0x51: {  	_ =	shalt  }
0x52: {  	_ =	shalt  }
0x53: {  	_ =	shalt  }
0x54: {  	_ =	shalt  }
0x55: {  	_ =	shalt  }
0x56: {  	_ =	shalt  }
0x57: {  	_ =	shalt  }
0x58: {  	_ =	shalt  }
0x59: {  	_ =	shalt  }
0x5a: {  	_ =	shalt  }
0x5b: {  	_ =	shalt  }
0x5c: {  	_ =	shalt  }
0x5d: {  	_ =	shalt  }
0x5e: {  	_ =	shalt  }
0x5f: {  	_ =	shalt  }
0x60: {  	_ =	shalt  }
0x61: {  	_ =	shalt  }
0x62: {  	_ =	shalt  }
0x63: {  	_ =	shalt  }
0x64: {  	_ =	shalt  }
0x65: {  	_ =	shalt  }
0x66: {  	_ =	shalt  }
0x67: {  	_ =	shalt  }
0x68: {  	_ =	shalt  }
0x69: {  	_ =	shalt  }
0x6a: {  	_ =	shalt  }
0x6b: {  	_ =	shalt  }
0x6c: {  	_ =	shalt  }
0x6d: {  	_ =	shalt  }
0x6e: {  	_ =	shalt  }
0x6f: {  	_ =	shalt  }
0x70: {  	_ =	shalt  }
0x71: {  	_ =	shalt  }
0x72: {  	_ =	shalt  }
0x73: {  	_ =	shalt  }
0x74: {  	_ =	shalt  }
0x75: {  	_ =	shalt  }
0x76: {  	_ =	shalt  }
0x77: {  	_ =	shalt  }
0x78: {  	_ =	shalt  }
0x79: {  	_ =	shalt  }
0x7a: {  	_ =	shalt  }
0x7b: {  	_ =	shalt  }
0x7c: {  	_ =	shalt  }
0x7d: {  	_ =	shalt  }
0x7e: {  	_ =	shalt  }
0x7f: {  	_ =	shalt  }
0x80: {  	_ =	shalt  }
0x81: {  	_ =	shalt  }
0x82: {  	_ =	shalt  }
0x83: {  	_ =	shalt  }
0x84: {  	_ =	shalt  }
0x85: {  	_ =	shalt  }
0x86: {  	_ =	shalt  }
0x87: {  	_ =	shalt  }
.Lfunc_end0:
.L_simem_size_0:
called_computation_lowered:
.L_overlay_start_0:
0x88: {  	s2 =	sld [smem:$0x3FD9]  }
0x89: {  	s3 =	sld [smem:$0x3FFE];
	_ =	sdelay $0x1  }
0x8a: {  	s1 =	srdreg.scid  }
0x8b: {  	s0 =	sand.u32 $0x1, s1  }
0x8c: {  	s17 =	sshll.u32 s0, $0xA;
	s2 =	sadd.s32 s3, s2  }
0x8d: {  	s2 =	sadd.s32 s2, s17  }
0x8e: {  	[smem:$0x3FC5] =	sst s2  }
0x8f: {  	_ = 	snop  }
0x90: {  	s2 =	sld [smem:$0x3FD0];
	(tm) =	ssettm $0x1  }
0x91: {  	s18 =	sld [smem:$0x3FFB];
	_ =	sdelay $0x3  }
0x92: {  	_ =	strace s18  }
0x93: {  	s3 =	sld [smem:$0x3FFC];
	_ =	sdelay $0x3  }
0x94: {  	_ =	strace s3  }
0x95: {  	s3 =	sld [smem:$0x3FFD];
	_ =	sdelay $0x3  }
0x96: {  	_ =	strace s3  }
0x97: {  	_ =	strace $0x8FFFFFFF  }
0x98: {  	s19 =	sld [smem:$0x3FDB];
	_ =	sdelay $0x1  }
0x99: {  	s4 =	simm.s32 $_scs_section_size  }
0x9a: {  	s5 =	simm.s32 $_size__tile_overlayer_lowered;
	s6 =	simm.s32 $_tile_overlayer_lowered  }
0x9b: {  	s22 =	simm.s32 $0x1BFF;
	s21 =	sshll.u32 s6, $0x1;
	s3 =	sadd.s32 s4, s19  }
0x9c: {  	s7 =	simm.s32 $0x0;
	s20 =	sshll.u32 s5, $0x1;
	s5 =	sadd.s32 s21, s3  }
0x9d: {  	[timem:s7], [sflag:s22] =	dma.local [hbm:s5], s20  }
0x9e: {  	_ =	swait.ge [sflag:s22], s20  }
0x9f: {  	s4 =	ssub.s32 $0x0, s20;
	[sflag:s22] =	ssyncset.done $0x0  }
0xa0: {  	[sflag:s22] =	ssyncadd.s32 s4;
	_ =	sdelay $0x1  }
0xa1: {  	s23 =	simm.s32 $0x1B8B  }
0xa2: {  	_ =	swait.ge [sflag:s23], $0x1  }
0xa3: {  	[sflag:s23] =	ssyncset.done $0x0  }
0xa4: {  	s25 =	simm.s32 $0x1B8E;
	s24 =	sld [smem:$0x3FFE];
	[sflag:s23] =	ssyncadd.s32 $0xFFFFFFFF  }
0xa5: {  	s26 =	simm.s32 $execute0_lowered;
	[smem:$0x3FD2] =	sst s25  }
0xa6: {  	s5 =	sshll.u32 s26, $0x1;
	_ =	strace $0x80000046;
	[dreg:$0x1] =	wrdreg $0xFFFFFFFF  }
0xa7: {  	s28 =	simm.s32 $_size_execute0_lowered;
	s3 =	sadd.s32 s3, s5;
	[dreg:$0x0] =	wrdreg $0x0  }
0xa8: {  	s5 =	sshll.u32 s28, $0x1;
	[dreg:$0x2] =	wrdreg s3  }
0xa9: {  	[dreg:$0x3] =	wrdreg s5  }
0xaa: {  	[dreg:$0x4] =	wrdreg $0xC0  }
0xab: {  	_ =	task [dreg:s7], $0x5FFFF  }
0xac: {  	[dreg:$0x1] =	wrdreg $0xFFFFFFFF  }
0xad: {  	[dreg:$0x0] =	wrdreg $0x60  }
0xae: {  	[dreg:$0x2] =	wrdreg s24  }
0xaf: {  	[dreg:$0x3] =	wrdreg s2  }
0xb0: {  	[dreg:$0x4] =	wrdreg $0x9  }
0xb1: {  	_ =	task.clear_ibuf [dreg:s7], $0x5FFFF;
	_ =	strace $0x90000046  }
0xb2: {  	s29 =	simm.s32 $0x9;
	_ =	strace $0x80000048  }
0xb3: {  	_ =	swait.ge [sflag:s29], $0x1  }
0xb4: {  	[sflag:s29] =	ssyncadd.s32 $0xFFFFFFFF  }
0xb5: {  	_ =	strace $0x90000048  }
0xb6: {  	_ =	sfence  }
0xb7: {  	s30 =	sld [smem:$0x0];
	_ =	sdelay $0x2  }
0xb8: {  	s31 =	sshll.u32 s1, $0xD;
	s1 =	sshrl.u32 s1, $0x2  }
0xb9: {  	s3 =	sand.u32 $0x4000, s31;
	s1 =	sadd.s32 s1, s30  }
0xba: {  	s0 =	sor.u32 s3, s0;
	s1 =	sshll.u32 s1, $0x11  }
0xbb: {  	s0 =	sor.u32 s1, s0  }
0xbc: {  	s0 =	sadd.s32 $0x8F2B, s0  }
0xbd: {  	[sflag:s0] =	ssyncadd.remote.s32 $0x1  }
0xbe: {  	_ =	sfence.sel $0xFFFF  }
0xbf: {  	[dreg:$0x0] =	wrdreg $0xFFFFFFFF;
	(pc) =	sbr.abs _section_cstart, $3  }
0xc0: {  	[dreg:$0x1] =	wrdreg $0xFFFFFFFF  }
0xc1: {  	_ =	task.clear_ibuf [dreg:s7], $0x2FFFF;
	_ =	strace $0x9FFFFFFF  }
0xc2: {  	(tm) =	ssettm $0x7FFFFFFF  }
0xc3: {  	_ =	shalt  }
tec
execute0_lowered:
.L_overlay_start_1:
0x0: {  	(tag) =	ssettag $0x1  }
0x1: {  	s0 =	rddreg [dreg:$0x0]  }
0x2: {  	s1 =	rddreg [dreg:$0x1];
	s3 =	srdreg.scid  }
0x3: {  	s2 =	simm.s32 $0x0;
	s21 =	stileid.u32;
	s23 =	simm.s32 $0x2000  }
0x4: {  	s29 =	simm.s32 $0x12000;
	s30 =	simm.s32 $0x1;
	s31 =	simm.s32 $0x6  }
0x5: {  	s22 =	simm.s32 $0x0;
	s4 =	sand.u32 $0x1, s3;
	[smem:$0x7FF] =	sst s2  }
0x6: {  	s25 =	sshll.u32 s21, $0xB;
	s3 =	sadd.s32 $0x8600, s0;
	s8 =	sadd.s32 $0x8A00, s0  }
0x7: {  	s9 =	sadd.s32 $0x8B00, s0;
	s10 =	sadd.s32 $0x8C00, s0;
	s11 =	sadd.s32 $0x8D00, s0  }
0x8: {  	s12 =	sadd.s32 $0x8E00, s0;
	s13 =	sadd.s32 $0x8F00, s0;
	s14 =	sadd.s32 $0x9000, s0  }
0x9: {  	s15 =	sadd.s32 $0x9100, s0;
	s16 =	sadd.s32 $0x9200, s0;
	s17 =	sadd.s32 $0x9300, s0  }
0xa: {  	s18 =	sadd.s32 $0x9400, s0;
	s19 =	sadd.s32 $0x9500, s0;
	s26 =	sshll.u32 s21, $0x13  }
0xb: {  	s5 =	sshll.u32 s4, $0xA;
	_ =	strace $0x80000047;
	s6 =	ssub.s32 $0x2, s4  }
0xc: {  	s28 =	sshll.u32 s4, $0x12;
	s4 =	simm.s32 $0x3;
	s5 =	sor.u32 s5, s25  }
.Ltmp0:
0xd: {  	s7 =	sshrl.u32 s6, $0x1;
	s5 =	sadd.s32 s5, s0;
	(pc) =	sbr.rel .LBB2_1-.Ltmp0, $4  }
0xe: {  	s20 =	ssub.s32 s6, s7;
	s6 =	sadd.s32 $0x8800, s0;
	s5 =	sadd.s32 $0x600, s5  }
0xf: {  	v0 =	vlaneseq.u32;
	s7 =	sadd.s32 $0x8900, s0;
	s20 =	smax.u32 s20, $0x1;
	[dreg:$0x3] =	wrdreg s5  }
0x10: {  	v1 =	vshrl.u32 v0, $0x3;
	s5 =	sadd.s32 $0x8700, s0;
	[dreg:$0x4] =	wrdreg s20;
	s0 =	sadd.s32 s26, s1  }
0x11: {  	vm0 =	vmmov $0xffff;
	v0 =	vand.u32 $0x7, v0;
	v1 =	vmul.u32 $0x8, v1;
	s1 =	simm.s32 $0x2;
	s21 =	sadd.s32 s28, s0;
	s0 =	simm.s32 $0x4  }
.LBB2_8:
0x12: {  	s20 =	simm.s32 $0x5  }
0x13: {  	_ =	swait.ge [sflag:s20], $0x8000  }
0x14: {  	[sflag:s20] =	ssyncset.done $0x0  }
0x15: {  	[sflag:s20] =	ssyncadd.s32 $0xFFFF8000  }
0x16: {  	_ =	swait.ge [sflag:s31], $0x8000  }
0x17: {  	[sflag:s31] =	ssyncset.done $0x0  }
0x18: {  	[sflag:s31] =	ssyncadd.s32 $0xFFFF8000  }
0x19: {  	_ =	swait.ge [sflag:s0], $0x8000  }
0x1a: {  	s22 =	rddreg [dreg:$0x5]  }
0x1b: {  	s28 =	rddreg [dreg:$0x4];
	s22 =	sadd.s32 $0x1, s22  }
0x1c: {  	p0 =	sne.s32 s22, s28  }
.Ltmp1:
0x1d: {  	_ = 	snop;
	(pc) =	sbr.rel @!p0 .LBB2_9-.Ltmp1, $3  }
0x1e: {  	_ =	sdelay $0x1  }
0x1f: {  	[sflag:s0] =	ssyncset.done $0x0  }
0x20: {  	[sflag:s0] =	ssyncadd.s32 $0xFFFF8000  }
.LBB2_1:
0x21: {  	[dreg:$0x5] =	wrdreg s22  }
0x22: {  	s20 =	rddreg [dreg:$0x3];
	s26 =	simm.s32 $0x7  }
0x23: {  	[tilespmem:s2], [sflag:$0x7] =	stream.linear.gather [hbm4b:s20+s2], $0x2000, $0x38;
	[tilespmem:$0x1A000] =	vst v63  }
0x24: {  	_ =	swait.ge [sflag:s26], $0x2000  }
0x25: {  	[sflag:s26] =	ssyncset.done $0x0  }
0x26: {  	[sflag:s26] =	ssyncadd.s32 $0xFFFFE000  }
0x27: {  	v2 =	vld.msk [tilespmem:$0x0], $0xff;
	_ =	sdelay $0x4  }
0x28: {  	v3 =	vshll.u32 v2, $0x5  }
0x29: {  	v2 =	vand.u32 $0x7, v2;
	v3 =	vand.u32 $0xFFFFFF00, v3  }
0x2a: {  	v2 =	vor.u32 v2, v3  }
0x2b: {  	v2 =	vperm.xlane v2, v0;
	_ =	sdelay $0x1  }
0x2c: {  	v2 =	vadd.s32 v1, v2;
	_ =	sdelay $0x4  }
0x2d: {  	[tilespmem:s23], [sflag:$0x1] =	stream.indirect_vreg.gather [hbm4b:s3+s2], $0x80, v2, vm0, $0xb8;
	[tilespmem:$0x1A000] =	vst v63  }
0x2e: {  	s28 =	simm.s32 $0x2800  }
0x2f: {  	[tilespmem:s28], [sflag:$0x1] =	stream.indirect_vreg.gather [hbm4b:s5+s2], $0x80, v2, vm0, $0xb8;
	[tilespmem:$0x1A000] =	vst v63  }
0x30: {  	s22 =	simm.s32 $0x3000  }
0x31: {  	[tilespmem:s22], [sflag:$0x1] =	stream.indirect_vreg.gather [hbm4b:s6+s2], $0x80, v2, vm0, $0xb8;
	[tilespmem:$0x1A000] =	vst v63  }
0x32: {  	s24 =	simm.s32 $0x3800  }
0x33: {  	[tilespmem:s24], [sflag:$0x1] =	stream.indirect_vreg.gather [hbm4b:s7+s2], $0x80, v2, vm0, $0xb8;
	[tilespmem:$0x1A000] =	vst v63  }
0x34: {  	s25 =	simm.s32 $0x4000  }
0x35: {  	[tilespmem:s25], [sflag:$0x1] =	stream.indirect_vreg.gather [hbm4b:s8+s2], $0x80, v2, vm0, $0xb8;
	[tilespmem:$0x1A000] =	vst v63  }
0x36: {  	s26 =	simm.s32 $0x4800  }
0x37: {  	[tilespmem:s26], [sflag:$0x1] =	stream.indirect_vreg.gather [hbm4b:s9+s2], $0x80, v2, vm0, $0xb8;
	[tilespmem:$0x1A000] =	vst v63  }
0x38: {  	s28 =	simm.s32 $0x5000  }
0x39: {  	[tilespmem:s28], [sflag:$0x1] =	stream.indirect_vreg.gather [hbm4b:s10+s2], $0x80, v2, vm0, $0xb8;
	[tilespmem:$0x1A000] =	vst v63  }
0x3a: {  	s22 =	simm.s32 $0x5800  }
0x3b: {  	[tilespmem:s22], [sflag:$0x1] =	stream.indirect_vreg.gather [hbm4b:s11+s2], $0x80, v2, vm0, $0xb8;
	[tilespmem:$0x1A000] =	vst v63  }
0x3c: {  	s24 =	simm.s32 $0x6000  }
0x3d: {  	[tilespmem:s24], [sflag:$0x1] =	stream.indirect_vreg.gather [hbm4b:s12+s2], $0x80, v2, vm0, $0xb8;
	[tilespmem:$0x1A000] =	vst v63  }
0x3e: {  	s25 =	simm.s32 $0x6800  }
0x3f: {  	[tilespmem:s25], [sflag:$0x1] =	stream.indirect_vreg.gather [hbm4b:s13+s2], $0x80, v2, vm0, $0xb8;
	[tilespmem:$0x1A000] =	vst v63  }
0x40: {  	s26 =	simm.s32 $0x7000  }
0x41: {  	[tilespmem:s26], [sflag:$0x1] =	stream.indirect_vreg.gather [hbm4b:s14+s2], $0x80, v2, vm0, $0xb8;
	[tilespmem:$0x1A000] =	vst v63  }
0x42: {  	s28 =	simm.s32 $0x7800  }
0x43: {  	[tilespmem:s28], [sflag:$0x1] =	stream.indirect_vreg.gather [hbm4b:s15+s2], $0x80, v2, vm0, $0xb8;
	[tilespmem:$0x1A000] =	vst v63  }
0x44: {  	s22 =	simm.s32 $0x8000  }
0x45: {  	[tilespmem:s22], [sflag:$0x1] =	stream.indirect_vreg.gather [hbm4b:s16+s2], $0x80, v2, vm0, $0xb8;
	[tilespmem:$0x1A000] =	vst v63  }
0x46: {  	s24 =	simm.s32 $0x8800  }
0x47: {  	[tilespmem:s24], [sflag:$0x1] =	stream.indirect_vreg.gather [hbm4b:s17+s2], $0x80, v2, vm0, $0xb8;
	[tilespmem:$0x1A000] =	vst v63  }
0x48: {  	s25 =	simm.s32 $0x9000  }
0x49: {  	[tilespmem:s25], [sflag:$0x1] =	stream.indirect_vreg.gather [hbm4b:s18+s2], $0x80, v2, vm0, $0xb8;
	[tilespmem:$0x1A000] =	vst v63  }
0x4a: {  	s26 =	simm.s32 $0x9800  }
0x4b: {  	[tilespmem:s26], [sflag:$0x1] =	stream.indirect_vreg.gather [hbm4b:s19+s2], $0x80, v2, vm0, $0xb8;
	[tilespmem:$0x1A000] =	vst v63  }
0x4c: {  	v2 =	vld.msk [tilespmem:$0x80], $0xff;
	_ =	sdelay $0x4  }
0x4d: {  	v3 =	vshll.u32 v2, $0x5  }
0x4e: {  	v2 =	vand.u32 $0x7, v2;
	v3 =	vand.u32 $0xFFFFFF00, v3  }
0x4f: {  	v2 =	vor.u32 v2, v3  }
0x50: {  	v2 =	vperm.xlane v2, v0;
	_ =	sdelay $0x1  }
0x51: {  	v2 =	vadd.s32 v1, v2;
	_ =	sdelay $0x3  }
0x52: {  	s28 =	simm.s32 $0xA000  }
0x53: {  	[tilespmem:s28], [sflag:$0x2] =	stream.indirect_vreg.gather [hbm4b:s3+s2], $0x80, v2, vm0, $0xb8;
	[tilespmem:$0x1A000] =	vst v63  }
0x54: {  	s22 =	simm.s32 $0xA800  }
0x55: {  	[tilespmem:s22], [sflag:$0x2] =	stream.indirect_vreg.gather [hbm4b:s5+s2], $0x80, v2, vm0, $0xb8;
	[tilespmem:$0x1A000] =	vst v63  }
0x56: {  	s24 =	simm.s32 $0xB000  }
0x57: {  	[tilespmem:s24], [sflag:$0x2] =	stream.indirect_vreg.gather [hbm4b:s6+s2], $0x80, v2, vm0, $0xb8;
	[tilespmem:$0x1A000] =	vst v63  }
0x58: {  	s25 =	simm.s32 $0xB800  }
0x59: {  	[tilespmem:s25], [sflag:$0x2] =	stream.indirect_vreg.gather [hbm4b:s7+s2], $0x80, v2, vm0, $0xb8;
	[tilespmem:$0x1A000] =	vst v63  }
0x5a: {  	s26 =	simm.s32 $0xC000  }
0x5b: {  	[tilespmem:s26], [sflag:$0x2] =	stream.indirect_vreg.gather [hbm4b:s8+s2], $0x80, v2, vm0, $0xb8;
	[tilespmem:$0x1A000] =	vst v63  }
0x5c: {  	s28 =	simm.s32 $0xC800  }
0x5d: {  	[tilespmem:s28], [sflag:$0x2] =	stream.indirect_vreg.gather [hbm4b:s9+s2], $0x80, v2, vm0, $0xb8;
	[tilespmem:$0x1A000] =	vst v63  }
0x5e: {  	s22 =	simm.s32 $0xD000  }
0x5f: {  	[tilespmem:s22], [sflag:$0x2] =	stream.indirect_vreg.gather [hbm4b:s10+s2], $0x80, v2, vm0, $0xb8;
	[tilespmem:$0x1A000] =	vst v63  }
0x60: {  	s24 =	simm.s32 $0xD800  }
0x61: {  	[tilespmem:s24], [sflag:$0x2] =	stream.indirect_vreg.gather [hbm4b:s11+s2], $0x80, v2, vm0, $0xb8;
	[tilespmem:$0x1A000] =	vst v63  }
0x62: {  	s25 =	simm.s32 $0xE000  }
0x63: {  	[tilespmem:s25], [sflag:$0x2] =	stream.indirect_vreg.gather [hbm4b:s12+s2], $0x80, v2, vm0, $0xb8;
	[tilespmem:$0x1A000] =	vst v63  }
0x64: {  	s26 =	simm.s32 $0xE800  }
0x65: {  	[tilespmem:s26], [sflag:$0x2] =	stream.indirect_vreg.gather [hbm4b:s13+s2], $0x80, v2, vm0, $0xb8;
	[tilespmem:$0x1A000] =	vst v63  }
0x66: {  	s28 =	simm.s32 $0xF000  }
0x67: {  	[tilespmem:s28], [sflag:$0x2] =	stream.indirect_vreg.gather [hbm4b:s14+s2], $0x80, v2, vm0, $0xb8;
	[tilespmem:$0x1A000] =	vst v63  }
0x68: {  	s22 =	simm.s32 $0xF800  }
0x69: {  	[tilespmem:s22], [sflag:$0x2] =	stream.indirect_vreg.gather [hbm4b:s15+s2], $0x80, v2, vm0, $0xb8;
	[tilespmem:$0x1A000] =	vst v63  }
0x6a: {  	s24 =	simm.s32 $0x10000  }
0x6b: {  	[tilespmem:s24], [sflag:$0x2] =	stream.indirect_vreg.gather [hbm4b:s16+s2], $0x80, v2, vm0, $0xb8;
	[tilespmem:$0x1A000] =	vst v63  }
0x6c: {  	s25 =	simm.s32 $0x10800  }
0x6d: {  	[tilespmem:s25], [sflag:$0x2] =	stream.indirect_vreg.gather [hbm4b:s17+s2], $0x80, v2, vm0, $0xb8;
	[tilespmem:$0x1A000] =	vst v63  }
0x6e: {  	s20 =	simm.s32 $0x0;
	s26 =	simm.s32 $0x11000  }
0x6f: {  	[tilespmem:s26], [sflag:$0x2] =	stream.indirect_vreg.gather [hbm4b:s18+s2], $0x80, v2, vm0, $0xb8;
	[tilespmem:$0x1A000] =	vst v63  }
0x70: {  	s28 =	simm.s32 $0x11800;
	s22 =	simm.s32 $0x100;
	s24 =	simm.s32 $0x0  }
0x71: {  	[tilespmem:s28], [sflag:$0x2] =	stream.indirect_vreg.gather [hbm4b:s19+s2], $0x80, v2, vm0, $0xb8;
	[tilespmem:$0x1A000] =	vst v63  }
.LBB2_2:
0x72: {  	p0 =	seq.s32 s20, $0x0  }
.Ltmp2:
0x73: {  	_ = 	snop;
	(pc) =	sbr.rel @p0 .LBB2_5-.Ltmp2, $2  }
0x74: {  	_ =	sdelay $0x2  }
0x75: {  	s25 =	simm.s32 $0x100  }
0x76: {  	p0 =	seq.s32 s20, $0x15  }
.Ltmp3:
0x77: {  	_ = 	snop;
	(pc) =	sbr.rel @p0 .LBB2_6-.Ltmp3, $1  }
0x78: {  	_ =	sdelay $0x3  }
0x79: {  	_ =	swait.ge [sflag:s31], $0x8000  }
0x7a: {  	[sflag:s31] =	ssyncset.done $0x0  }
0x7b: {  	s25 =	smov.u32 s22;
	[sflag:s31] =	ssyncadd.s32 $0xFFFF8000  }
.LBB2_5:
0x7c: {  	v2 =	vld.msk [tilespmem:s25+$0x0], $0xff;
	_ =	sdelay $0x4  }
0x7d: {  	v3 =	vshll.u32 v2, $0x5  }
0x7e: {  	v2 =	vand.u32 $0x7, v2;
	v3 =	vand.u32 $0xFFFFFF00, v3  }
0x7f: {  	v2 =	vor.u32 v2, v3  }
0x80: {  	v2 =	vperm.xlane v2, v0;
	_ =	sdelay $0x1  }
0x81: {  	v2 =	vadd.s32 v1, v2;
	_ =	sdelay $0x4  }
0x82: {  	[tilespmem:s29], [sflag:$0x3] =	stream.indirect_vreg.gather [hbm4b:s3+s2], $0x80, v2, vm0, $0xb8;
	[tilespmem:$0x1A000] =	vst v63  }
0x83: {  	s28 =	simm.s32 $0x12800  }
0x84: {  	[tilespmem:s28], [sflag:$0x3] =	stream.indirect_vreg.gather [hbm4b:s5+s2], $0x80, v2, vm0, $0xb8;
	[tilespmem:$0x1A000] =	vst v63  }
0x85: {  	s26 =	simm.s32 $0x13000  }
0x86: {  	[tilespmem:s26], [sflag:$0x3] =	stream.indirect_vreg.gather [hbm4b:s6+s2], $0x80, v2, vm0, $0xb8;
	[tilespmem:$0x1A000] =	vst v63  }
0x87: {  	s28 =	simm.s32 $0x13800  }
0x88: {  	[tilespmem:s28], [sflag:$0x3] =	stream.indirect_vreg.gather [hbm4b:s7+s2], $0x80, v2, vm0, $0xb8;
	[tilespmem:$0x1A000] =	vst v63  }
0x89: {  	s26 =	simm.s32 $0x14000  }
0x8a: {  	[tilespmem:s26], [sflag:$0x3] =	stream.indirect_vreg.gather [hbm4b:s8+s2], $0x80, v2, vm0, $0xb8;
	[tilespmem:$0x1A000] =	vst v63  }
0x8b: {  	s28 =	simm.s32 $0x14800  }
0x8c: {  	[tilespmem:s28], [sflag:$0x3] =	stream.indirect_vreg.gather [hbm4b:s9+s2], $0x80, v2, vm0, $0xb8;
	[tilespmem:$0x1A000] =	vst v63  }
0x8d: {  	s26 =	simm.s32 $0x15000  }
0x8e: {  	[tilespmem:s26], [sflag:$0x3] =	stream.indirect_vreg.gather [hbm4b:s10+s2], $0x80, v2, vm0, $0xb8;
	[tilespmem:$0x1A000] =	vst v63  }
0x8f: {  	s28 =	simm.s32 $0x15800  }
0x90: {  	[tilespmem:s28], [sflag:$0x3] =	stream.indirect_vreg.gather [hbm4b:s11+s2], $0x80, v2, vm0, $0xb8;
	[tilespmem:$0x1A000] =	vst v63  }
0x91: {  	s26 =	simm.s32 $0x16000  }
0x92: {  	[tilespmem:s26], [sflag:$0x3] =	stream.indirect_vreg.gather [hbm4b:s12+s2], $0x80, v2, vm0, $0xb8;
	[tilespmem:$0x1A000] =	vst v63  }
0x93: {  	s28 =	simm.s32 $0x16800  }
0x94: {  	[tilespmem:s28], [sflag:$0x3] =	stream.indirect_vreg.gather [hbm4b:s13+s2], $0x80, v2, vm0, $0xb8;
	[tilespmem:$0x1A000] =	vst v63  }
0x95: {  	s26 =	simm.s32 $0x17000  }
0x96: {  	[tilespmem:s26], [sflag:$0x3] =	stream.indirect_vreg.gather [hbm4b:s14+s2], $0x80, v2, vm0, $0xb8;
	[tilespmem:$0x1A000] =	vst v63  }
0x97: {  	s28 =	simm.s32 $0x17800  }
0x98: {  	[tilespmem:s28], [sflag:$0x3] =	stream.indirect_vreg.gather [hbm4b:s15+s2], $0x80, v2, vm0, $0xb8;
	[tilespmem:$0x1A000] =	vst v63  }
0x99: {  	s26 =	simm.s32 $0x18000  }
0x9a: {  	[tilespmem:s26], [sflag:$0x3] =	stream.indirect_vreg.gather [hbm4b:s16+s2], $0x80, v2, vm0, $0xb8;
	[tilespmem:$0x1A000] =	vst v63  }
0x9b: {  	s28 =	simm.s32 $0x18800  }
0x9c: {  	[tilespmem:s28], [sflag:$0x3] =	stream.indirect_vreg.gather [hbm4b:s17+s2], $0x80, v2, vm0, $0xb8;
	[tilespmem:$0x1A000] =	vst v63  }
0x9d: {  	s26 =	simm.s32 $0x19000  }
0x9e: {  	[tilespmem:s26], [sflag:$0x3] =	stream.indirect_vreg.gather [hbm4b:s18+s2], $0x80, v2, vm0, $0xb8;
	[tilespmem:$0x1A000] =	vst v63  }
0x9f: {  	s28 =	simm.s32 $0x19800  }
0xa0: {  	[tilespmem:s28], [sflag:$0x3] =	stream.indirect_vreg.gather [hbm4b:s19+s2], $0x80, v2, vm0, $0xb8;
	[tilespmem:$0x1A000] =	vst v63  }
.LBB2_6:
0xa1: {  	p0 =	seq.s32 s24, $0x3F000  }
.Ltmp4:
0xa2: {  	_ = 	snop;
	(pc) =	sbr.rel @p0 .LBB2_8-.Ltmp4, $4  }
0xa3: {  	_ =	swait.ge [sflag:s30], $0x8000  }
0xa4: {  	[sflag:s30] =	ssyncset.done $0x0  }
0xa5: {  	s25 =	sadd.s32 s24, s21;
	[sflag:s30] =	ssyncadd.s32 $0xFFFF8000  }
0xa6: {  	[hbm4b:s25+s2] =	stream.linear.scatter [tilespmem:s23], [sflag:$0x4], $0x8000, $0x38;
	[tilespmem:$0x1A000] =	vst v63  }
0xa7: {  	_ =	swait.ge [sflag:s0], $0x8000  }
0xa8: {  	[sflag:s0] =	ssyncset.done $0x0  }
0xa9: {  	[sflag:s0] =	ssyncadd.s32 $0xFFFF8000  }
0xaa: {  	v2 =	vld.msk [tilespmem:s22+$0x80], $0xff;
	_ =	sdelay $0x4  }
0xab: {  	v3 =	vshll.u32 v2, $0x5  }
0xac: {  	v2 =	vand.u32 $0x7, v2;
	v3 =	vand.u32 $0xFFFFFF00, v3  }
0xad: {  	v2 =	vor.u32 v2, v3  }
0xae: {  	v2 =	vperm.xlane v2, v0;
	_ =	sdelay $0x1  }
0xaf: {  	v2 =	vadd.s32 v1, v2;
	_ =	sdelay $0x4  }
0xb0: {  	[tilespmem:s23], [sflag:$0x1] =	stream.indirect_vreg.gather [hbm4b:s3+s2], $0x80, v2, vm0, $0xb8;
	[tilespmem:$0x1A000] =	vst v63  }
0xb1: {  	s26 =	simm.s32 $0x2800  }
0xb2: {  	[tilespmem:s26], [sflag:$0x1] =	stream.indirect_vreg.gather [hbm4b:s5+s2], $0x80, v2, vm0, $0xb8;
	[tilespmem:$0x1A000] =	vst v63  }
0xb3: {  	s28 =	simm.s32 $0x3000  }
0xb4: {  	[tilespmem:s28], [sflag:$0x1] =	stream.indirect_vreg.gather [hbm4b:s6+s2], $0x80, v2, vm0, $0xb8;
	[tilespmem:$0x1A000] =	vst v63  }
0xb5: {  	s28 =	simm.s32 $0x3800  }
0xb6: {  	[tilespmem:s28], [sflag:$0x1] =	stream.indirect_vreg.gather [hbm4b:s7+s2], $0x80, v2, vm0, $0xb8;
	[tilespmem:$0x1A000] =	vst v63  }
0xb7: {  	s28 =	simm.s32 $0x4000  }
0xb8: {  	[tilespmem:s28], [sflag:$0x1] =	stream.indirect_vreg.gather [hbm4b:s8+s2], $0x80, v2, vm0, $0xb8;
	[tilespmem:$0x1A000] =	vst v63  }
0xb9: {  	s28 =	simm.s32 $0x4800  }
0xba: {  	[tilespmem:s28], [sflag:$0x1] =	stream.indirect_vreg.gather [hbm4b:s9+s2], $0x80, v2, vm0, $0xb8;
	[tilespmem:$0x1A000] =	vst v63  }
0xbb: {  	s28 =	simm.s32 $0x5000  }
0xbc: {  	[tilespmem:s28], [sflag:$0x1] =	stream.indirect_vreg.gather [hbm4b:s10+s2], $0x80, v2, vm0, $0xb8;
	[tilespmem:$0x1A000] =	vst v63  }
0xbd: {  	s28 =	simm.s32 $0x5800  }
0xbe: {  	[tilespmem:s28], [sflag:$0x1] =	stream.indirect_vreg.gather [hbm4b:s11+s2], $0x80, v2, vm0, $0xb8;
	[tilespmem:$0x1A000] =	vst v63  }
0xbf: {  	s28 =	simm.s32 $0x6000  }
0xc0: {  	[tilespmem:s28], [sflag:$0x1] =	stream.indirect_vreg.gather [hbm4b:s12+s2], $0x80, v2, vm0, $0xb8;
	[tilespmem:$0x1A000] =	vst v63  }
0xc1: {  	s28 =	simm.s32 $0x6800  }
0xc2: {  	[tilespmem:s28], [sflag:$0x1] =	stream.indirect_vreg.gather [hbm4b:s13+s2], $0x80, v2, vm0, $0xb8;
	[tilespmem:$0x1A000] =	vst v63  }
0xc3: {  	s28 =	simm.s32 $0x7000  }
0xc4: {  	[tilespmem:s28], [sflag:$0x1] =	stream.indirect_vreg.gather [hbm4b:s14+s2], $0x80, v2, vm0, $0xb8;
	[tilespmem:$0x1A000] =	vst v63  }
0xc5: {  	s28 =	simm.s32 $0x7800  }
0xc6: {  	[tilespmem:s28], [sflag:$0x1] =	stream.indirect_vreg.gather [hbm4b:s15+s2], $0x80, v2, vm0, $0xb8;
	[tilespmem:$0x1A000] =	vst v63  }
0xc7: {  	s28 =	simm.s32 $0x8000  }
0xc8: {  	[tilespmem:s28], [sflag:$0x1] =	stream.indirect_vreg.gather [hbm4b:s16+s2], $0x80, v2, vm0, $0xb8;
	[tilespmem:$0x1A000] =	vst v63  }
0xc9: {  	s28 =	simm.s32 $0x8800  }
0xca: {  	[tilespmem:s28], [sflag:$0x1] =	stream.indirect_vreg.gather [hbm4b:s17+s2], $0x80, v2, vm0, $0xb8;
	[tilespmem:$0x1A000] =	vst v63  }
0xcb: {  	s28 =	simm.s32 $0x9000  }
0xcc: {  	[tilespmem:s28], [sflag:$0x1] =	stream.indirect_vreg.gather [hbm4b:s18+s2], $0x80, v2, vm0, $0xb8;
	[tilespmem:$0x1A000] =	vst v63  }
0xcd: {  	s28 =	simm.s32 $0x9800  }
0xce: {  	[tilespmem:s28], [sflag:$0x1] =	stream.indirect_vreg.gather [hbm4b:s19+s2], $0x80, v2, vm0, $0xb8;
	[tilespmem:$0x1A000] =	vst v63  }
0xcf: {  	_ =	swait.ge [sflag:s1], $0x8000  }
0xd0: {  	p0 =	sgt.u32 s20, $0x13;
	[sflag:s1] =	ssyncset.done $0x0  }
0xd1: {  	s26 =	sadd.s32 $0x1000, s25;
	s28 =	simm.s32 $0xA000;
	[sflag:s1] =	ssyncadd.s32 $0xFFFF8000  }
0xd2: {  	[hbm4b:s26+s2] =	stream.linear.scatter [tilespmem:s28], [sflag:$0x5], $0x8000, $0x38;
	[tilespmem:$0x1A000] =	vst v63  }
0xd3: {  	s26 =	simm.s32 @!p0 $0x5  }
0xd4: {  	_ =	swait.ge @!p0 [sflag:s26], $0x8000  }
0xd5: {  	[sflag:s26] =	ssyncset.done @!p0 $0x0  }
0xd6: {  	[sflag:s26] =	ssyncadd.s32 @!p0 $0xFFFF8000  }
0xd7: {  	v2 =	vld.msk @!p0 [tilespmem:s22+$0x100], $0xff;
	_ =	sdelay $0x4  }
0xd8: {  	v3 =	vshll.u32 @!p0 v2, $0x5  }
0xd9: {  	v4 =	vlaneseq.u32 @!p0;
	v2 =	vand.u32 @!p0 $0x7, v2;
	v3 =	vand.u32 @!p0 $0xFFFFFF00, v3  }
0xda: {  	v2 =	vor.u32 @!p0 v2, v3;
	v3 =	vand.u32 @!p0 $0x7, v4;
	v4 =	vshrl.u32 @!p0 v4, $0x3  }
0xdb: {  	v2 =	vperm.xlane @!p0 v2, v3;
	v3 =	vmul.u32 @!p0 $0x8, v4;
	_ =	sdelay $0x1  }
0xdc: {  	v2 =	vadd.s32 @!p0 v3, v2;
	_ =	sdelay $0x3  }
0xdd: {  	vm1 =	vmmov @!p0 $0xffff;
	s28 =	simm.s32 @!p0 $0xA000;
	s26 =	simm.s32 @!p0 $0x0  }
0xde: {  	[tilespmem:s28], [sflag:$0x2] =	stream.indirect_vreg.gather @!p0 [hbm4b:s3+s26], $0x80, v2, vm1, $0xb8;
	[tilespmem:$0x1A000] =	vst v63  }
0xdf: {  	s28 =	simm.s32 @!p0 $0xA800  }
0xe0: {  	[tilespmem:s28], [sflag:$0x2] =	stream.indirect_vreg.gather @!p0 [hbm4b:s5+s26], $0x80, v2, vm1, $0xb8;
	[tilespmem:$0x1A000] =	vst v63  }
0xe1: {  	s28 =	simm.s32 @!p0 $0xB000  }
0xe2: {  	[tilespmem:s28], [sflag:$0x2] =	stream.indirect_vreg.gather @!p0 [hbm4b:s6+s26], $0x80, v2, vm1, $0xb8;
	[tilespmem:$0x1A000] =	vst v63  }
0xe3: {  	s28 =	simm.s32 @!p0 $0xB800  }
0xe4: {  	[tilespmem:s28], [sflag:$0x2] =	stream.indirect_vreg.gather @!p0 [hbm4b:s7+s26], $0x80, v2, vm1, $0xb8;
	[tilespmem:$0x1A000] =	vst v63  }
0xe5: {  	s28 =	simm.s32 @!p0 $0xC000  }
0xe6: {  	[tilespmem:s28], [sflag:$0x2] =	stream.indirect_vreg.gather @!p0 [hbm4b:s8+s26], $0x80, v2, vm1, $0xb8;
	[tilespmem:$0x1A000] =	vst v63  }
0xe7: {  	s28 =	simm.s32 @!p0 $0xC800  }
0xe8: {  	[tilespmem:s28], [sflag:$0x2] =	stream.indirect_vreg.gather @!p0 [hbm4b:s9+s26], $0x80, v2, vm1, $0xb8;
	[tilespmem:$0x1A000] =	vst v63  }
0xe9: {  	s28 =	simm.s32 @!p0 $0xD000  }
0xea: {  	[tilespmem:s28], [sflag:$0x2] =	stream.indirect_vreg.gather @!p0 [hbm4b:s10+s26], $0x80, v2, vm1, $0xb8;
	[tilespmem:$0x1A000] =	vst v63  }
0xeb: {  	s28 =	simm.s32 @!p0 $0xD800  }
0xec: {  	[tilespmem:s28], [sflag:$0x2] =	stream.indirect_vreg.gather @!p0 [hbm4b:s11+s26], $0x80, v2, vm1, $0xb8;
	[tilespmem:$0x1A000] =	vst v63  }
0xed: {  	s28 =	simm.s32 @!p0 $0xE000  }
0xee: {  	[tilespmem:s28], [sflag:$0x2] =	stream.indirect_vreg.gather @!p0 [hbm4b:s12+s26], $0x80, v2, vm1, $0xb8;
	[tilespmem:$0x1A000] =	vst v63  }
0xef: {  	s28 =	simm.s32 @!p0 $0xE800  }
0xf0: {  	[tilespmem:s28], [sflag:$0x2] =	stream.indirect_vreg.gather @!p0 [hbm4b:s13+s26], $0x80, v2, vm1, $0xb8;
	[tilespmem:$0x1A000] =	vst v63  }
0xf1: {  	s28 =	simm.s32 @!p0 $0xF000  }
0xf2: {  	[tilespmem:s28], [sflag:$0x2] =	stream.indirect_vreg.gather @!p0 [hbm4b:s14+s26], $0x80, v2, vm1, $0xb8;
	[tilespmem:$0x1A000] =	vst v63  }
0xf3: {  	s28 =	simm.s32 @!p0 $0xF800  }
0xf4: {  	[tilespmem:s28], [sflag:$0x2] =	stream.indirect_vreg.gather @!p0 [hbm4b:s15+s26], $0x80, v2, vm1, $0xb8;
	[tilespmem:$0x1A000] =	vst v63  }
0xf5: {  	s28 =	simm.s32 @!p0 $0x10000  }
0xf6: {  	[tilespmem:s28], [sflag:$0x2] =	stream.indirect_vreg.gather @!p0 [hbm4b:s16+s26], $0x80, v2, vm1, $0xb8;
	[tilespmem:$0x1A000] =	vst v63  }
0xf7: {  	s28 =	simm.s32 @!p0 $0x10800  }
0xf8: {  	[tilespmem:s28], [sflag:$0x2] =	stream.indirect_vreg.gather @!p0 [hbm4b:s17+s26], $0x80, v2, vm1, $0xb8;
	[tilespmem:$0x1A000] =	vst v63  }
0xf9: {  	s28 =	simm.s32 @!p0 $0x11000  }
0xfa: {  	[tilespmem:s28], [sflag:$0x2] =	stream.indirect_vreg.gather @!p0 [hbm4b:s18+s26], $0x80, v2, vm1, $0xb8;
	[tilespmem:$0x1A000] =	vst v63  }
0xfb: {  	s24 =	sadd.s32 $0x3000, s24;
	s28 =	simm.s32 @!p0 $0x11800  }
0xfc: {  	[tilespmem:s28], [sflag:$0x2] =	stream.indirect_vreg.gather @!p0 [hbm4b:s19+s26], $0x80, v2, vm1, $0xb8;
	[tilespmem:$0x1A000] =	vst v63  }
0xfd: {  	p0 =	sne.s32 s24, $0x42000  }
.Ltmp5:
0xfe: {  	_ = 	snop;
	(pc) =	sbr.rel @p0 .LBB2_2-.Ltmp5, $4  }
.Ltmp6:
0xff: {  	_ =	swait.ge [sflag:s4], $0x8000;
	(pc) =	sbr.rel @!p0 .LBB2_8-.Ltmp6, $4  }
0x100: {  	s20 =	sadd.s32 $0x1, s20;
	[sflag:s4] =	ssyncset.done $0x0  }
0x101: {  	s22 =	sadd.s32 $0x180, s22;
	s28 =	sadd.s32 $0x2000, s25;
	[sflag:s4] =	ssyncadd.s32 $0xFFFF8000  }
0x102: {  	[hbm4b:s28+s2] =	stream.linear.scatter [tilespmem:s29], [sflag:$0x6], $0x8000, $0x38;
	[tilespmem:$0x1A000] =	vst v63  }
0x103: {  	_ = 	snop  }
.LBB2_9:
0x104: {  	_ =	sfence.sel $0x180000  }
0x105: {  	[bflag:$0x0] =	sbarrier.arrive $0xFFFF  }
0x106: {  	_ =	strace $0x90000047  }
0x107: {  	s0 =	stileid.u32;
	[bflag:$0x2] =	sbarrier.arrive $0xFFFF  }
0x108: {  	p0 =	sne.s32 s0, $0x0;
	s0 =	rddreg [dreg:$0x2]  }
0x109: {  	s0 =	sadd.s32 @!p0 $0x100000, s0  }
0x10a: {  	[sflag:s0] =	ssyncadd.tile.s32 @!p0 $0x1;
	_ =	shalt  }
.Lfunc_end2:
_tile_overlayer_lowered:
.L_overlay_start_2:
0x10b: {  	(tag) =	ssettag $0x2  }
0x10c: {  	s0 =	rddreg [dreg:$0x0];
	s2 =	stileid.u32  }
0x10d: {  	s1 =	rddreg [dreg:$0x1];
	p0 =	sne.s32 s2, $0x0  }
0x10e: {  	s3 =	rddreg [dreg:$0x2];
	[bflag:$0x3] =	sbarrier.arrive $0xFFFF;
	s2 =	simm.s32 @!p0 $0x1C07  }
0x10f: {  	[timem:s3], [sflag:s2] =	dma.local @!p0 [hbm:s0], s1  }
0x110: {  	s0 =	simm.s32 @!p0 $0x7  }
0x111: {  	_ =	swait.ge @!p0 [sflag:s0], s1  }
0x112: {  	s1 =	ssub.s32 @!p0 $0x0, s1;
	[sflag:s0] =	ssyncset.done @!p0 $0x0  }
0x113: {  	[sflag:s0] =	ssyncadd.s32 @!p0 s1  }
0x114: {  	[bflag:$0x3] =	sbarrier.arrive $0xFFFF  }
0x115: {  	_ =	shalt  }

</sc_bundles>
